<compile_context>
chip_gen: v7x
topology: tpu7x:2x2x1
jax: 0.10.2.dev20260603
libtpu: 0.0.44.dev20260713+nightly
codegen_flags: <defaults>
</compile_context>

<pallas_src>
import functools
import math

import jax
import jax.numpy as jnp
from jax import lax
from jax.experimental import pallas as pl
from jax.experimental.pallas import tpu as pltpu
from jax.experimental.pallas import tpu_sc as plsc

N_NODES = 10000
E_EDGES = 320000
NC, NS = 2, 16
NW = NC * NS
EPW = E_EDGES // NW
CH = 80
NCHUNK = EPW // CH
ROWS_PT = N_NODES // NS

F32 = jnp.float32


def _sc_mesh():
    return plsc.VectorSubcoreMesh(
        core_axis_name="c", subcore_axis_name="s", num_cores=NC, num_subcores=NS
    )


def _sc_gather_body(npack, srci, dsti, sg_o, dg_o,
                    siv0, div0, srows0, drows0, siv1, div1, srows1, drows1,
                    sa0, sb0, sa1, sb1):
    wid = lax.axis_index("s") * NC + lax.axis_index("c")
    bufs = ((siv0, div0, srows0, drows0, sa0, sb0),
            (siv1, div1, srows1, drows1, sa1, sb1))

    def start(i, b):
        siv, div, srows, drows, sa, sb = bufs[b]
        base = wid * EPW + i * CH
        pltpu.sync_copy(srci.at[pl.ds(base, CH)], siv)
        pltpu.sync_copy(dsti.at[pl.ds(base, CH)], div)
        pltpu.async_copy(npack.at[siv], srows, sa)
        pltpu.async_copy(npack.at[div], drows, sb)

    def finish(i, b):
        siv, div, srows, drows, sa, sb = bufs[b]
        base = wid * EPW + i * CH
        pltpu.make_async_copy(npack.at[siv], srows, sa).wait()
        pltpu.make_async_copy(npack.at[div], drows, sb).wait()
        pltpu.sync_copy(srows, sg_o.at[pl.ds(base, CH)])
        pltpu.sync_copy(drows, dg_o.at[pl.ds(base, CH)])

    start(0, 0)

    @pl.loop(0, (NCHUNK - 1) // 2)
    def _pair(p):
        i0 = 2 * p
        start(i0 + 1, 1)
        finish(i0, 0)
        start(i0 + 2, 0)
        finish(i0 + 1, 1)

    finish(NCHUNK - 1, 0)


_sc_gather = pl.kernel(
    _sc_gather_body,
    out_type=(
        jax.ShapeDtypeStruct((E_EDGES, 16), F32),
        jax.ShapeDtypeStruct((E_EDGES, 16), F32),
    ),
    mesh=_sc_mesh(),
    compiler_params=pltpu.CompilerParams(use_tc_tiling_on_sc=False),
    scratch_types=[
        pltpu.VMEM((CH,), jnp.int32),
        pltpu.VMEM((CH,), jnp.int32),
        pltpu.VMEM((CH, 16), F32),
        pltpu.VMEM((CH, 16), F32),
        pltpu.VMEM((CH,), jnp.int32),
        pltpu.VMEM((CH,), jnp.int32),
        pltpu.VMEM((CH, 16), F32),
        pltpu.VMEM((CH, 16), F32),
        pltpu.SemaphoreType.DMA,
        pltpu.SemaphoreType.DMA,
        pltpu.SemaphoreType.DMA,
        pltpu.SemaphoreType.DMA,
    ],
)


BE = 2000
GE = E_EDGES // BE

_RSQRT_F = float(1.0 / math.sqrt(32.0))

_mm = functools.partial(jnp.matmul, precision=jax.lax.Precision.HIGHEST)


def _tc_edge_body(sg, dg, attr, wk1p, bk1, wk2, bk2, wklp,
                  wv1p, bv1, wv2, bv2, wvlp, wqp,
                  wc1p, bc1, wc2, bc2, w64_o, c_o):
    sgv = sg[...]
    dgv = dg[...]
    d = dgv - sgv
    d3 = d[:, 0:3]
    r2 = jnp.sum(d3 * d3, axis=1, keepdims=True) + 1e-8
    r = jnp.sqrt(r2)
    at = attr[...]
    ein = jnp.concatenate([r, at, jnp.zeros((BE, 3), F32)], axis=1)
    hk = jnp.maximum(ein @ wk1p[...] + bk1[...], 0.0)
    krad = hk @ wk2[...] + bk2[...]
    kl = sgv @ wklp[...]
    kq = dgv @ wqp[...]
    logits = jnp.sum(krad * kl * kq, axis=1, keepdims=True) * _RSQRT_F
    ex = jnp.exp(logits)
    hv = jnp.maximum(ein @ wv1p[...] + bv1[...], 0.0)
    vrad = hv @ wv2[...] + bv2[...]
    vl = sgv @ wvlp[...]
    w = ex * (vrad * vl)
    w64_o[...] = jnp.concatenate([w, ex, jnp.zeros((BE, 31), F32)], axis=1)
    hc = jnp.maximum(ein @ wc1p[...] + bc1[...], 0.0)
    c_o[...] = hc @ wc2[...] + bc2[...]


def _full(shape):
    rank = len(shape)
    return pl.BlockSpec(shape, lambda i, _r=rank: (0,) * _r)


_tc_edge = pl.pallas_call(
    _tc_edge_body,
    grid=(GE,),
    in_specs=[
        pl.BlockSpec((BE, 16), lambda i: (i, 0)),
        pl.BlockSpec((BE, 16), lambda i: (i, 0)),
        pl.BlockSpec((BE, 12), lambda i: (i, 0)),
        _full((16, 64)), _full((1, 64)),
        _full((64, 32)), _full((1, 32)), _full((16, 32)),
        _full((16, 64)), _full((1, 64)),
        _full((64, 32)), _full((1, 32)), _full((16, 32)),
        _full((16, 32)),
        _full((16, 64)), _full((1, 64)),
        _full((64, 128)), _full((1, 128)),
    ],
    out_specs=[
        pl.BlockSpec((BE, 64), lambda i: (i, 0)),
        pl.BlockSpec((BE, 128), lambda i: (i, 0)),
    ],
    out_shape=[
        jax.ShapeDtypeStruct((E_EDGES, 64), F32),
        jax.ShapeDtypeStruct((E_EDGES, 128), F32),
    ],
)


def _sc_attn_body(w64, dsti, zrows, accp_o, dv0, wv0, dv1, wv1, sa0, sa1,
                  acc):
    cid = lax.axis_index("c")
    sid = lax.axis_index("s")
    wid = sid * NC + cid
    row0 = sid * ROWS_PT
    pltpu.sync_copy(zrows.at[pl.ds(row0, ROWS_PT)],
                    acc.at[pl.ds(row0, ROWS_PT)])
    bufs = ((dv0, wv0, sa0), (dv1, wv1, sa1))

    def start(i, b):
        dv, wv, sa = bufs[b]
        base = wid * EPW + i * CH
        pltpu.sync_copy(dsti.at[pl.ds(base, CH)], dv)
        pltpu.async_copy(w64.at[pl.ds(base, CH)], wv, sa)

    def finish(i, b):
        dv, wv, sa = bufs[b]
        base = wid * EPW + i * CH
        pltpu.make_async_copy(w64.at[pl.ds(base, CH)], wv, sa).wait()
        pltpu.sync_copy(wv, acc.at[dv], add=True)

    plsc.subcore_barrier()
    start(0, 0)

    @pl.loop(0, (NCHUNK - 1) // 2)
    def _pair(p):
        i0 = 2 * p
        start(i0 + 1, 1)
        finish(i0, 0)
        start(i0 + 2, 0)
        finish(i0 + 1, 1)

    finish(NCHUNK - 1, 0)
    plsc.subcore_barrier()
    pltpu.sync_copy(acc.at[pl.ds(row0, ROWS_PT)],
                    accp_o.at[cid, pl.ds(row0, ROWS_PT)])


_sc_attn = pl.kernel(
    _sc_attn_body,
    out_type=jax.ShapeDtypeStruct((NC, N_NODES, 64), F32),
    mesh=_sc_mesh(),
    compiler_params=pltpu.CompilerParams(use_tc_tiling_on_sc=False),
    scratch_types=[
        pltpu.VMEM((CH,), jnp.int32),
        pltpu.VMEM((CH, 64), F32),
        pltpu.VMEM((CH,), jnp.int32),
        pltpu.VMEM((CH, 64), F32),
        pltpu.SemaphoreType.DMA,
        pltpu.SemaphoreType.DMA,
        pltpu.VMEM_SHARED((N_NODES, 64), F32),
    ],
)


BN = 2000
GN = N_NODES // BN


def _tc_node_body(accp, xin, wskip, wn1, bn1, wn2, bn2, wclin, wself,
                  selw, seld, hc_o, fs_o):
    acc = accp[0] + accp[1]
    attn_num = _mm(acc, selw[...])
    den = _mm(acc, seld[...])
    attn = attn_num / (den + 1e-9)
    h = attn + xin[...] @ wskip[...]
    nrm = jnp.abs(h)
    ph = h / (nrm + 1e-8)
    s1 = jnp.maximum(nrm @ wn1[...] + bn1[...], 0.0)
    s2 = jnp.maximum(s1 @ wn2[...] + bn2[...], 0.0)
    h2 = s2 * ph
    hc_o[...] = h2 @ wclin[...]
    fs_o[...] = h2 @ wself[...]


_tc_node = pl.pallas_call(
    _tc_node_body,
    grid=(GN,),
    in_specs=[
        pl.BlockSpec((NC, BN, 64), lambda i: (0, i, 0)),
        pl.BlockSpec((BN, 6), lambda i: (i, 0)),
        _full((6, 32)),
        _full((32, 32)), _full((1, 32)), _full((32, 32)), _full((1, 32)),
        _full((32, 128)), _full((32, 128)),
        _full((64, 32)), _full((64, 1)),
    ],
    out_specs=[
        pl.BlockSpec((BN, 128), lambda i: (i, 0)),
        pl.BlockSpec((BN, 128), lambda i: (i, 0)),
    ],
    out_shape=[
        jax.ShapeDtypeStruct((N_NODES, 128), F32),
        jax.ShapeDtypeStruct((N_NODES, 128), F32),
    ],
)


def _sc_conv_body(cmat, hcmat, srci, dsti, zrows, aggp_o,
                  sv, dv, cv, gv, agg, sem):
    cid = lax.axis_index("c")
    sid = lax.axis_index("s")
    wid = sid * NC + cid
    row0 = sid * ROWS_PT
    pltpu.sync_copy(zrows.at[pl.ds(row0, ROWS_PT)],
                    agg.at[pl.ds(row0, ROWS_PT)])
    plsc.subcore_barrier()

    @pl.loop(0, NCHUNK)
    def _chunk(i):
        base = wid * EPW + i * CH
        pltpu.sync_copy(srci.at[pl.ds(base, CH)], sv)
        pltpu.sync_copy(dsti.at[pl.ds(base, CH)], dv)
        cp = pltpu.async_copy(hcmat.at[sv], gv, sem)
        pltpu.sync_copy(cmat.at[pl.ds(base, CH)], cv)
        cp.wait()

        @pl.loop(0, CH)
        def _row(rr):
            for j in range(8):
                o = j * 16
                gv[rr, pl.ds(o, 16)] = (
                    gv[rr, pl.ds(o, 16)] * cv[rr, pl.ds(o, 16)])

        pltpu.sync_copy(gv, agg.at[dv], add=True)

    plsc.subcore_barrier()
    pltpu.sync_copy(agg.at[pl.ds(row0, ROWS_PT)],
                    aggp_o.at[cid, pl.ds(row0, ROWS_PT)])


_sc_conv = pl.kernel(
    _sc_conv_body,
    out_type=jax.ShapeDtypeStruct((NC, N_NODES, 128), F32),
    mesh=_sc_mesh(),
    compiler_params=pltpu.CompilerParams(use_tc_tiling_on_sc=False),
    scratch_types=[
        pltpu.VMEM((CH,), jnp.int32),
        pltpu.VMEM((CH,), jnp.int32),
        pltpu.VMEM((CH, 128), F32),
        pltpu.VMEM((CH, 128), F32),
        pltpu.VMEM_SHARED((N_NODES, 128), F32),
        pltpu.SemaphoreType.DMA,
    ],
)


def _tc_merge_body(aggp, fs, out_o):
    out_o[...] = aggp[0] + aggp[1] + fs[...]


_tc_merge = pl.pallas_call(
    _tc_merge_body,
    grid=(GN,),
    in_specs=[
        pl.BlockSpec((NC, BN, 128), lambda i: (0, i, 0)),
        pl.BlockSpec((BN, 128), lambda i: (i, 0)),
    ],
    out_specs=pl.BlockSpec((BN, 128), lambda i: (i, 0)),
    out_shape=jax.ShapeDtypeStruct((N_NODES, 128), F32),
)


def kernel(x, pos, edge_index, edge_attr,
           Wk1, bk1, Wk2, bk2, Wk_lin,
           Wv1, bv1, Wv2, bv2, Wv_lin,
           Wq, Wskip,
           Wn1, bn1, Wn2, bn2,
           Wc1, bc1, Wc2, bc2, Wc_lin, Wself):
    src = edge_index[0]
    dst = edge_index[1]
    npack = jnp.concatenate([pos, x, jnp.zeros((N_NODES, 7), F32)], axis=1)

    sg, dg = _sc_gather(npack, src, dst)

    def packed(w):
        return jnp.zeros((16, w.shape[1]), F32).at[3:9, :].set(w)

    def pad16(w):
        return jnp.concatenate([w, jnp.zeros((3, w.shape[1]), F32)], axis=0)

    selw = jnp.zeros((64, 32), F32).at[jnp.arange(32), jnp.arange(32)].set(1.0)
    seld = jnp.zeros((64, 1), F32).at[32, 0].set(1.0)

    w64, c = _tc_edge(
        sg, dg, edge_attr,
        pad16(Wk1), bk1[None], Wk2, bk2[None], packed(Wk_lin),
        pad16(Wv1), bv1[None], Wv2, bv2[None], packed(Wv_lin),
        packed(Wq),
        pad16(Wc1), bc1[None], Wc2, bc2[None],
    )

    z64 = jnp.zeros((N_NODES, 64), F32)
    accp = _sc_attn(w64, dst, z64)

    hc, fs = _tc_node(
        accp, x, Wskip, Wn1, bn1[None], Wn2, bn2[None], Wc_lin, Wself,
        selw, seld,
    )

    z128 = jnp.zeros((N_NODES, 128), F32)
    aggp = _sc_conv(c, hc, src, dst, z128)

    feat = _tc_merge(aggp, fs)
    return (feat[None], pos)

# --- scband reference (transcript-rebuilt; emitter-appended) ---
"""Pipeline reference for scband-net-5059471475239 (READ-ONLY COPY).

The authoritative reference and input builder live on the scoring server;
editing this copy changes nothing except your own understanding.
"""

import jax, jax.numpy as jnp
import numpy as np

N = 10000
E = 320000
F_IN = 6
F_MID = 32
F_OUT = 128
EDGE_DIM = 12
RH = 64


def setup_inputs(seed: int = 0) -> dict:
    key = jax.random.key(seed)
    ks = jax.random.split(key, 32)
    d = {}
    d['x'] = jax.random.normal(ks[0], (N, F_IN), dtype=jnp.float32)
    d['pos'] = jax.random.normal(ks[1], (N, 3), dtype=jnp.float32) * 3.0
    d['edge_index'] = jax.random.randint(ks[2], (2, E), 0, N, dtype=jnp.int32)
    d['edge_attr'] = jax.random.normal(ks[3], (E, EDGE_DIM), dtype=jnp.float32)
    w = lambda k, shp: jax.random.normal(k, shp, dtype=jnp.float32) * 0.1
    # GSE3Res (attention, degree-0): radial kernels for key/value, 1x1 linears, query, skip
    d['Wk1'] = w(ks[4], (EDGE_DIM + 1, RH)); d['bk1'] = jnp.zeros((RH,), jnp.float32)
    d['Wk2'] = w(ks[5], (RH, F_MID));        d['bk2'] = jnp.zeros((F_MID,), jnp.float32)
    d['Wk_lin'] = w(ks[6], (F_IN, F_MID))
    d['Wv1'] = w(ks[7], (EDGE_DIM + 1, RH)); d['bv1'] = jnp.zeros((RH,), jnp.float32)
    d['Wv2'] = w(ks[8], (RH, F_MID));        d['bv2'] = jnp.zeros((F_MID,), jnp.float32)
    d['Wv_lin'] = w(ks[9], (F_IN, F_MID))
    d['Wq'] = w(ks[10], (F_IN, F_MID))
    d['Wskip'] = w(ks[11], (F_IN, F_MID))
    # GNormSE3: MLP acting on per-channel norms
    d['Wn1'] = w(ks[12], (F_MID, F_MID)); d['bn1'] = jnp.zeros((F_MID,), jnp.float32)
    d['Wn2'] = w(ks[13], (F_MID, F_MID)); d['bn2'] = jnp.zeros((F_MID,), jnp.float32)
    # GConvSE3: radial kernel + 1x1 linear + self-interaction
    d['Wc1'] = w(ks[14], (EDGE_DIM + 1, RH)); d['bc1'] = jnp.zeros((RH,), jnp.float32)
    d['Wc2'] = w(ks[15], (RH, F_OUT));        d['bc2'] = jnp.zeros((F_OUT,), jnp.float32)
    d['Wc_lin'] = w(ks[16], (F_MID, F_OUT))
    d['Wself'] = w(ks[17], (F_MID, F_OUT))
    return d


def reference(x, pos, edge_index, edge_attr,
              Wk1, bk1, Wk2, bk2, Wk_lin,
              Wv1, bv1, Wv2, bv2, Wv_lin,
              Wq, Wskip,
              Wn1, bn1, Wn2, bn2,
              Wc1, bc1, Wc2, bc2, Wc_lin, Wself):
    src = edge_index[0]
    dst = edge_index[1]
    # get_basis_and_r: degree-0 basis is trivial; r = edge lengths
    rel = pos[dst] - pos[src]
    r = jnp.sqrt(jnp.sum(rel * rel, axis=1, keepdims=True) + 1e-8)
    ein = jnp.concatenate([r, edge_attr], axis=1)  # [E, 13]

    def radial(W1, b1, W2, b2):
        return jax.nn.relu(ein @ W1 + b1) @ W2 + b2

    # ---- GSE3Res: graph self-attention (degree-0 path) ----
    k_e = radial(Wk1, bk1, Wk2, bk2) * (jnp.take(x, src, axis=0) @ Wk_lin)  # [E, 32]
    v_e = radial(Wv1, bv1, Wv2, bv2) * (jnp.take(x, src, axis=0) @ Wv_lin)  # [E, 32]
    q = x @ Wq                                                              # [N, 32]
    logits = jnp.sum(k_e * jnp.take(q, dst, axis=0), axis=1) / jnp.sqrt(float(F_MID))
    m = jax.ops.segment_max(logits, dst, num_segments=N)
    m = jnp.where(jnp.isfinite(m), m, 0.0)
    ex = jnp.exp(logits - jnp.take(m, dst, axis=0))
    den = jax.ops.segment_sum(ex, dst, num_segments=N)
    a = ex / (jnp.take(den, dst, axis=0) + 1e-9)
    attn = jax.ops.segment_sum(a[:, None] * v_e, dst, num_segments=N)       # [N, 32]
    h = attn + x @ Wskip

    # ---- GNormSE3: norm-based nonlinearity ----
    norm = jnp.abs(h)
    phase = h / (norm + 1e-8)
    scale = jax.nn.relu(jax.nn.relu(norm @ Wn1 + bn1) @ Wn2 + bn2)
    h2 = scale * phase

    # ---- GConvSE3: equivariant graph conv with self-interaction ----
    c = radial(Wc1, bc1, Wc2, bc2)                                          # [E, 128]
    msg = c * (jnp.take(h2, src, axis=0) @ Wc_lin)                          # [E, 128]
    agg = jax.ops.segment_sum(msg, dst, num_segments=N)                     # [N, 128]
    feat = agg + h2 @ Wself

    out = feat[None, :, :]  # features['0'][..., -1].unsqueeze(0) -> [1, N, 128]
    return (out, pos)

if __name__ == "__main__":
    import jax
    _d = setup_inputs()
    print(jax.jit(kernel)(*tuple(_d.values())))

</pallas_src>

<mosaic_0001>
#map = affine_map<(d0, d1) -> (0, 0)>
#map1 = affine_map<(d0, d1) -> (0)>
module attributes {stable_mosaic.version = 14 : i64} {
  func.func @_sc_gather_body(%arg0: i32, %arg1: i32, %arg2: memref<10000x16xf32, #tpu.memory_space<hbm>>, %arg3: memref<320000xi32, #tpu.memory_space<hbm>>, %arg4: memref<320000xi32, #tpu.memory_space<hbm>>, %arg5: memref<320000x16xf32, #tpu.memory_space<hbm>>, %arg6: memref<320000x16xf32, #tpu.memory_space<hbm>>, %arg7: memref<80xi32, #tpu.memory_space<vmem>>, %arg8: memref<80xi32, #tpu.memory_space<vmem>>, %arg9: memref<80x16xf32, #tpu.memory_space<vmem>>, %arg10: memref<80x16xf32, #tpu.memory_space<vmem>>, %arg11: memref<80xi32, #tpu.memory_space<vmem>>, %arg12: memref<80xi32, #tpu.memory_space<vmem>>, %arg13: memref<80x16xf32, #tpu.memory_space<vmem>>, %arg14: memref<80x16xf32, #tpu.memory_space<vmem>>, %arg15: memref<!tpu.dma_semaphore, #tpu.memory_space<semaphore_mem>>, %arg16: memref<!tpu.dma_semaphore, #tpu.memory_space<semaphore_mem>>, %arg17: memref<!tpu.dma_semaphore, #tpu.memory_space<semaphore_mem>>, %arg18: memref<!tpu.dma_semaphore, #tpu.memory_space<semaphore_mem>>) attributes {dimension_semantics = [#tpu.dimension_semantics<core_parallel>, #tpu.dimension_semantics<subcore_parallel>], iteration_bounds = array<i64: 2, 16>, scalar_prefetch = 0 : i64, scratch_operands = 12 : i64, tpu.core_type = #tpu.core_type<sc_vector_subcore>, window_params = [{transform_indices = #map}, {transform_indices = #map1}, {transform_indices = #map1}, {transform_indices = #map}, {transform_indices = #map}]} {
    %mul3A = arith.constant 2 : i32
    %mul3A_0 = arith.muli %arg1, %mul3A : i32
    %add3A = arith.addi %mul3A_0, %arg0 : i32
    %mul3A_1 = arith.constant 10000 : i32
    %mul3A_2 = arith.muli %add3A, %mul3A_1 : i32
    %add3A_3 = arith.constant 0 : i32
    %add3A_4 = arith.addi %mul3A_2, %add3A_3 : i32
    "tpu.region"() ({
      %run_scoped3A = tpu.sem_alloc : memref<!tpu.dma_semaphore, #tpu.memory_space<semaphore_mem>>
      %dma_start3A_23 = tpu.memref_slice %arg3[%add3A_4] : memref<320000xi32, #tpu.memory_space<hbm>> -> memref<80xi32, #tpu.memory_space<hbm>>
      %dma_start3A_24 = tpu.memref_slice %arg3[%add3A_4] : memref<320000xi32, #tpu.memory_space<hbm>> -> memref<80xi32, #tpu.memory_space<hbm>>
      tpu.enqueue_dma source(%dma_start3A_24 : memref<80xi32, #tpu.memory_space<hbm>>) target(%arg7 : memref<80xi32, #tpu.memory_space<vmem>>) target_semaphore(%run_scoped3A : memref<!tpu.dma_semaphore, #tpu.memory_space<semaphore_mem>>)
      %dma_wait3A_25 = tpu.memref_slice %arg3[%add3A_4] : memref<320000xi32, #tpu.memory_space<hbm>> -> memref<80xi32, #tpu.memory_space<hbm>>
      %dma_wait3A_26 = tpu.memref_slice %arg3[%add3A_4] : memref<320000xi32, #tpu.memory_space<hbm>> -> memref<80xi32, #tpu.memory_space<hbm>>
      tpu.wait_dma2 semaphore(%run_scoped3A : memref<!tpu.dma_semaphore, #tpu.memory_space<semaphore_mem>>) src(%dma_wait3A_26 : memref<80xi32, #tpu.memory_space<hbm>>) dst(%arg7 : memref<80xi32, #tpu.memory_space<vmem>>)
      tpu.yield
    }) : () -> ()
    "tpu.region"() ({
      %run_scoped3A = tpu.sem_alloc : memref<!tpu.dma_semaphore, #tpu.memory_space<semaphore_mem>>
      %dma_start3A_23 = tpu.memref_slice %arg4[%add3A_4] : memref<320000xi32, #tpu.memory_space<hbm>> -> memref<80xi32, #tpu.memory_space<hbm>>
      %dma_start3A_24 = tpu.memref_slice %arg4[%add3A_4] : memref<320000xi32, #tpu.memory_space<hbm>> -> memref<80xi32, #tpu.memory_space<hbm>>
      tpu.enqueue_dma source(%dma_start3A_24 : memref<80xi32, #tpu.memory_space<hbm>>) target(%arg8 : memref<80xi32, #tpu.memory_space<vmem>>) target_semaphore(%run_scoped3A : memref<!tpu.dma_semaphore, #tpu.memory_space<semaphore_mem>>)
      %dma_wait3A_25 = tpu.memref_slice %arg4[%add3A_4] : memref<320000xi32, #tpu.memory_space<hbm>> -> memref<80xi32, #tpu.memory_space<hbm>>
      %dma_wait3A_26 = tpu.memref_slice %arg4[%add3A_4] : memref<320000xi32, #tpu.memory_space<hbm>> -> memref<80xi32, #tpu.memory_space<hbm>>
      tpu.wait_dma2 semaphore(%run_scoped3A : memref<!tpu.dma_semaphore, #tpu.memory_space<semaphore_mem>>) src(%dma_wait3A_26 : memref<80xi32, #tpu.memory_space<hbm>>) dst(%arg8 : memref<80xi32, #tpu.memory_space<vmem>>)
      tpu.yield
    }) : () -> ()
    %dma_start3A = arith.constant 0 : i32
    %dma_start3A_5 = arith.constant 0 : i32
    %dma_start3A_6 = tpu.memref_slice %arg2[%dma_start3A, %dma_start3A_5] : memref<10000x16xf32, #tpu.memory_space<hbm>> -> memref<10000x16xf32, #tpu.memory_space<hbm>>
    tpu.enqueue_indirect_dma source(%dma_start3A_6 : memref<10000x16xf32, #tpu.memory_space<hbm>>) target(%arg9 : memref<80x16xf32, #tpu.memory_space<vmem>>) offsets(%arg7 : memref<80xi32, #tpu.memory_space<vmem>>) semaphore(%arg15 : memref<!tpu.dma_semaphore, #tpu.memory_space<semaphore_mem>>)
    %dma_start3A_7 = arith.constant 0 : i32
    %dma_start3A_8 = arith.constant 0 : i32
    %dma_start3A_9 = tpu.memref_slice %arg2[%dma_start3A_7, %dma_start3A_8] : memref<10000x16xf32, #tpu.memory_space<hbm>> -> memref<10000x16xf32, #tpu.memory_space<hbm>>
    tpu.enqueue_indirect_dma source(%dma_start3A_9 : memref<10000x16xf32, #tpu.memory_space<hbm>>) target(%arg10 : memref<80x16xf32, #tpu.memory_space<vmem>>) offsets(%arg8 : memref<80xi32, #tpu.memory_space<vmem>>) semaphore(%arg16 : memref<!tpu.dma_semaphore, #tpu.memory_space<semaphore_mem>>)
    %scan3A = arith.constant 0 : i32
    %scan3A_10 = arith.constant 62 : i32
    %scan3A_11 = arith.addi %scan3A, %scan3A_10 : i32
    %scan3A_12 = arith.constant 1 : i32
    scf.for %scan3A_23 = %scan3A to %scan3A_11 step %scan3A_12  : i32 {
      %mul3A_24 = arith.constant 1 : i32
      %mul3A_25 = arith.muli %scan3A_23, %mul3A_24 : i32
      %add3A_26 = arith.constant 0 : i32
      %add3A_27 = arith.addi %add3A_26, %mul3A_25 : i32
      %mul3A_28 = arith.constant 2 : i32
      %mul3A_29 = arith.muli %mul3A_28, %add3A_27 : i32
      %add3A_30 = arith.constant 1 : i32
      %add3A_31 = arith.addi %mul3A_29, %add3A_30 : i32
      %mul3A_32 = arith.constant 10000 : i32
      %mul3A_33 = arith.muli %add3A, %mul3A_32 : i32
      %mul3A_34 = arith.constant 80 : i32
      %mul3A_35 = arith.muli %add3A_31, %mul3A_34 : i32
      %add3A_36 = arith.addi %mul3A_33, %mul3A_35 : i32
      "tpu.region"() ({
        %run_scoped3A = tpu.sem_alloc : memref<!tpu.dma_semaphore, #tpu.memory_space<semaphore_mem>>
        %dma_start3A_80 = tpu.memref_slice %arg3[%add3A_36] : memref<320000xi32, #tpu.memory_space<hbm>> -> memref<80xi32, #tpu.memory_space<hbm>>
        %dma_start3A_81 = tpu.memref_slice %arg3[%add3A_36] : memref<320000xi32, #tpu.memory_space<hbm>> -> memref<80xi32, #tpu.memory_space<hbm>>
        tpu.enqueue_dma source(%dma_start3A_81 : memref<80xi32, #tpu.memory_space<hbm>>) target(%arg11 : memref<80xi32, #tpu.memory_space<vmem>>) target_semaphore(%run_scoped3A : memref<!tpu.dma_semaphore, #tpu.memory_space<semaphore_mem>>)
        %dma_wait3A_82 = tpu.memref_slice %arg3[%add3A_36] : memref<320000xi32, #tpu.memory_space<hbm>> -> memref<80xi32, #tpu.memory_space<hbm>>
        %dma_wait3A_83 = tpu.memref_slice %arg3[%add3A_36] : memref<320000xi32, #tpu.memory_space<hbm>> -> memref<80xi32, #tpu.memory_space<hbm>>
        tpu.wait_dma2 semaphore(%run_scoped3A : memref<!tpu.dma_semaphore, #tpu.memory_space<semaphore_mem>>) src(%dma_wait3A_83 : memref<80xi32, #tpu.memory_space<hbm>>) dst(%arg11 : memref<80xi32, #tpu.memory_space<vmem>>)
        tpu.yield
      }) : () -> ()
      "tpu.region"() ({
        %run_scoped3A = tpu.sem_alloc : memref<!tpu.dma_semaphore, #tpu.memory_space<semaphore_mem>>
        %dma_start3A_80 = tpu.memref_slice %arg4[%add3A_36] : memref<320000xi32, #tpu.memory_space<hbm>> -> memref<80xi32, #tpu.memory_space<hbm>>
        %dma_start3A_81 = tpu.memref_slice %arg4[%add3A_36] : memref<320000xi32, #tpu.memory_space<hbm>> -> memref<80xi32, #tpu.memory_space<hbm>>
        tpu.enqueue_dma source(%dma_start3A_81 : memref<80xi32, #tpu.memory_space<hbm>>) target(%arg12 : memref<80xi32, #tpu.memory_space<vmem>>) target_semaphore(%run_scoped3A : memref<!tpu.dma_semaphore, #tpu.memory_space<semaphore_mem>>)
        %dma_wait3A_82 = tpu.memref_slice %arg4[%add3A_36] : memref<320000xi32, #tpu.memory_space<hbm>> -> memref<80xi32, #tpu.memory_space<hbm>>
        %dma_wait3A_83 = tpu.memref_slice %arg4[%add3A_36] : memref<320000xi32, #tpu.memory_space<hbm>> -> memref<80xi32, #tpu.memory_space<hbm>>
        tpu.wait_dma2 semaphore(%run_scoped3A : memref<!tpu.dma_semaphore, #tpu.memory_space<semaphore_mem>>) src(%dma_wait3A_83 : memref<80xi32, #tpu.memory_space<hbm>>) dst(%arg12 : memref<80xi32, #tpu.memory_space<vmem>>)
        tpu.yield
      }) : () -> ()
      %dma_start3A_37 = arith.constant 0 : i32
      %dma_start3A_38 = arith.constant 0 : i32
      %dma_start3A_39 = tpu.memref_slice %arg2[%dma_start3A_37, %dma_start3A_38] : memref<10000x16xf32, #tpu.memory_space<hbm>> -> memref<10000x16xf32, #tpu.memory_space<hbm>>
      tpu.enqueue_indirect_dma source(%dma_start3A_39 : memref<10000x16xf32, #tpu.memory_space<hbm>>) target(%arg13 : memref<80x16xf32, #tpu.memory_space<vmem>>) offsets(%arg11 : memref<80xi32, #tpu.memory_space<vmem>>) semaphore(%arg17 : memref<!tpu.dma_semaphore, #tpu.memory_space<semaphore_mem>>)
      %dma_start3A_40 = arith.constant 0 : i32
      %dma_start3A_41 = arith.constant 0 : i32
      %dma_start3A_42 = tpu.memref_slice %arg2[%dma_start3A_40, %dma_start3A_41] : memref<10000x16xf32, #tpu.memory_space<hbm>> -> memref<10000x16xf32, #tpu.memory_space<hbm>>
      tpu.enqueue_indirect_dma source(%dma_start3A_42 : memref<10000x16xf32, #tpu.memory_space<hbm>>) target(%arg14 : memref<80x16xf32, #tpu.memory_space<vmem>>) offsets(%arg12 : memref<80xi32, #tpu.memory_space<vmem>>) semaphore(%arg18 : memref<!tpu.dma_semaphore, #tpu.memory_space<semaphore_mem>>)
      %mul3A_43 = arith.constant 10000 : i32
      %mul3A_44 = arith.muli %add3A, %mul3A_43 : i32
      %mul3A_45 = arith.constant 80 : i32
      %mul3A_46 = arith.muli %mul3A_29, %mul3A_45 : i32
      %add3A_47 = arith.addi %mul3A_44, %mul3A_46 : i32
      %dma_wait3A_48 = arith.constant 0 : i32
      %dma_wait3A_49 = arith.constant 0 : i32
      %dma_wait3A_50 = tpu.memref_slice %arg2[%dma_wait3A_48, %dma_wait3A_49] : memref<10000x16xf32, #tpu.memory_space<hbm>> -> memref<10000x16xf32, #tpu.memory_space<hbm>>
      tpu.wait_indirect_dma semaphore(%arg15 : memref<!tpu.dma_semaphore, #tpu.memory_space<semaphore_mem>>) src(%dma_wait3A_50 : memref<10000x16xf32, #tpu.memory_space<hbm>>) dst(%arg9 : memref<80x16xf32, #tpu.memory_space<vmem>>)
      %dma_wait3A_51 = arith.constant 0 : i32
      %dma_wait3A_52 = arith.constant 0 : i32
      %dma_wait3A_53 = tpu.memref_slice %arg2[%dma_wait3A_51, %dma_wait3A_52] : memref<10000x16xf32, #tpu.memory_space<hbm>> -> memref<10000x16xf32, #tpu.memory_space<hbm>>
      tpu.wait_indirect_dma semaphore(%arg16 : memref<!tpu.dma_semaphore, #tpu.memory_space<semaphore_mem>>) src(%dma_wait3A_53 : memref<10000x16xf32, #tpu.memory_space<hbm>>) dst(%arg10 : memref<80x16xf32, #tpu.memory_space<vmem>>)
      "tpu.region"() ({
        %run_scoped3A = tpu.sem_alloc : memref<!tpu.dma_semaphore, #tpu.memory_space<semaphore_mem>>
        %dma_start3A_80 = arith.constant 0 : i32
        %dma_start3A_81 = tpu.memref_slice %arg5[%add3A_47, %dma_start3A_80] : memref<320000x16xf32, #tpu.memory_space<hbm>> -> memref<80x16xf32, #tpu.memory_space<hbm>>
        %dma_start3A_82 = arith.constant 0 : i32
        %dma_start3A_83 = tpu.memref_slice %arg5[%add3A_47, %dma_start3A_82] : memref<320000x16xf32, #tpu.memory_space<hbm>> -> memref<80x16xf32, #tpu.memory_space<hbm>>
        tpu.enqueue_dma source(%arg9 : memref<80x16xf32, #tpu.memory_space<vmem>>) target(%dma_start3A_83 : memref<80x16xf32, #tpu.memory_space<hbm>>) target_semaphore(%run_scoped3A : memref<!tpu.dma_semaphore, #tpu.memory_space<semaphore_mem>>)
        %dma_wait3A_84 = arith.constant 0 : i32
        %dma_wait3A_85 = tpu.memref_slice %arg5[%add3A_47, %dma_wait3A_84] : memref<320000x16xf32, #tpu.memory_space<hbm>> -> memref<80x16xf32, #tpu.memory_space<hbm>>
        %dma_wait3A_86 = arith.constant 0 : i32
        %dma_wait3A_87 = tpu.memref_slice %arg5[%add3A_47, %dma_wait3A_86] : memref<320000x16xf32, #tpu.memory_space<hbm>> -> memref<80x16xf32, #tpu.memory_space<hbm>>
        tpu.wait_dma2 semaphore(%run_scoped3A : memref<!tpu.dma_semaphore, #tpu.memory_space<semaphore_mem>>) src(%arg9 : memref<80x16xf32, #tpu.memory_space<vmem>>) dst(%dma_wait3A_87 : memref<80x16xf32, #tpu.memory_space<hbm>>)
        tpu.yield
      }) : () -> ()
      "tpu.region"() ({
        %run_scoped3A = tpu.sem_alloc : memref<!tpu.dma_semaphore, #tpu.memory_space<semaphore_mem>>
        %dma_start3A_80 = arith.constant 0 : i32
        %dma_start3A_81 = tpu.memref_slice %arg6[%add3A_47, %dma_start3A_80] : memref<320000x16xf32, #tpu.memory_space<hbm>> -> memref<80x16xf32, #tpu.memory_space<hbm>>
        %dma_start3A_82 = arith.constant 0 : i32
        %dma_start3A_83 = tpu.memref_slice %arg6[%add3A_47, %dma_start3A_82] : memref<320000x16xf32, #tpu.memory_space<hbm>> -> memref<80x16xf32, #tpu.memory_space<hbm>>
        tpu.enqueue_dma source(%arg10 : memref<80x16xf32, #tpu.memory_space<vmem>>) target(%dma_start3A_83 : memref<80x16xf32, #tpu.memory_space<hbm>>) target_semaphore(%run_scoped3A : memref<!tpu.dma_semaphore, #tpu.memory_space<semaphore_mem>>)
        %dma_wait3A_84 = arith.constant 0 : i32
        %dma_wait3A_85 = tpu.memref_slice %arg6[%add3A_47, %dma_wait3A_84] : memref<320000x16xf32, #tpu.memory_space<hbm>> -> memref<80x16xf32, #tpu.memory_space<hbm>>
        %dma_wait3A_86 = arith.constant 0 : i32
        %dma_wait3A_87 = tpu.memref_slice %arg6[%add3A_47, %dma_wait3A_86] : memref<320000x16xf32, #tpu.memory_space<hbm>> -> memref<80x16xf32, #tpu.memory_space<hbm>>
        tpu.wait_dma2 semaphore(%run_scoped3A : memref<!tpu.dma_semaphore, #tpu.memory_space<semaphore_mem>>) src(%arg10 : memref<80x16xf32, #tpu.memory_space<vmem>>) dst(%dma_wait3A_87 : memref<80x16xf32, #tpu.memory_space<hbm>>)
        tpu.yield
      }) : () -> ()
      %add3A_54 = arith.constant 2 : i32
      %add3A_55 = arith.addi %mul3A_29, %add3A_54 : i32
      %mul3A_56 = arith.constant 10000 : i32
      %mul3A_57 = arith.muli %add3A, %mul3A_56 : i32
      %mul3A_58 = arith.constant 80 : i32
      %mul3A_59 = arith.muli %add3A_55, %mul3A_58 : i32
      %add3A_60 = arith.addi %mul3A_57, %mul3A_59 : i32
      "tpu.region"() ({
        %run_scoped3A = tpu.sem_alloc : memref<!tpu.dma_semaphore, #tpu.memory_space<semaphore_mem>>
        %dma_start3A_80 = tpu.memref_slice %arg3[%add3A_60] : memref<320000xi32, #tpu.memory_space<hbm>> -> memref<80xi32, #tpu.memory_space<hbm>>
        %dma_start3A_81 = tpu.memref_slice %arg3[%add3A_60] : memref<320000xi32, #tpu.memory_space<hbm>> -> memref<80xi32, #tpu.memory_space<hbm>>
        tpu.enqueue_dma source(%dma_start3A_81 : memref<80xi32, #tpu.memory_space<hbm>>) target(%arg7 : memref<80xi32, #tpu.memory_space<vmem>>) target_semaphore(%run_scoped3A : memref<!tpu.dma_semaphore, #tpu.memory_space<semaphore_mem>>)
        %dma_wait3A_82 = tpu.memref_slice %arg3[%add3A_60] : memref<320000xi32, #tpu.memory_space<hbm>> -> memref<80xi32, #tpu.memory_space<hbm>>
        %dma_wait3A_83 = tpu.memref_slice %arg3[%add3A_60] : memref<320000xi32, #tpu.memory_space<hbm>> -> memref<80xi32, #tpu.memory_space<hbm>>
        tpu.wait_dma2 semaphore(%run_scoped3A : memref<!tpu.dma_semaphore, #tpu.memory_space<semaphore_mem>>) src(%dma_wait3A_83 : memref<80xi32, #tpu.memory_space<hbm>>) dst(%arg7 : memref<80xi32, #tpu.memory_space<vmem>>)
        tpu.yield
      }) : () -> ()
      "tpu.region"() ({
        %run_scoped3A = tpu.sem_alloc : memref<!tpu.dma_semaphore, #tpu.memory_space<semaphore_mem>>
        %dma_start3A_80 = tpu.memref_slice %arg4[%add3A_60] : memref<320000xi32, #tpu.memory_space<hbm>> -> memref<80xi32, #tpu.memory_space<hbm>>
        %dma_start3A_81 = tpu.memref_slice %arg4[%add3A_60] : memref<320000xi32, #tpu.memory_space<hbm>> -> memref<80xi32, #tpu.memory_space<hbm>>
        tpu.enqueue_dma source(%dma_start3A_81 : memref<80xi32, #tpu.memory_space<hbm>>) target(%arg8 : memref<80xi32, #tpu.memory_space<vmem>>) target_semaphore(%run_scoped3A : memref<!tpu.dma_semaphore, #tpu.memory_space<semaphore_mem>>)
        %dma_wait3A_82 = tpu.memref_slice %arg4[%add3A_60] : memref<320000xi32, #tpu.memory_space<hbm>> -> memref<80xi32, #tpu.memory_space<hbm>>
        %dma_wait3A_83 = tpu.memref_slice %arg4[%add3A_60] : memref<320000xi32, #tpu.memory_space<hbm>> -> memref<80xi32, #tpu.memory_space<hbm>>
        tpu.wait_dma2 semaphore(%run_scoped3A : memref<!tpu.dma_semaphore, #tpu.memory_space<semaphore_mem>>) src(%dma_wait3A_83 : memref<80xi32, #tpu.memory_space<hbm>>) dst(%arg8 : memref<80xi32, #tpu.memory_space<vmem>>)
        tpu.yield
      }) : () -> ()
      %dma_start3A_61 = arith.constant 0 : i32
      %dma_start3A_62 = arith.constant 0 : i32
      %dma_start3A_63 = tpu.memref_slice %arg2[%dma_start3A_61, %dma_start3A_62] : memref<10000x16xf32, #tpu.memory_space<hbm>> -> memref<10000x16xf32, #tpu.memory_space<hbm>>
      tpu.enqueue_indirect_dma source(%dma_start3A_63 : memref<10000x16xf32, #tpu.memory_space<hbm>>) target(%arg9 : memref<80x16xf32, #tpu.memory_space<vmem>>) offsets(%arg7 : memref<80xi32, #tpu.memory_space<vmem>>) semaphore(%arg15 : memref<!tpu.dma_semaphore, #tpu.memory_space<semaphore_mem>>)
      %dma_start3A_64 = arith.constant 0 : i32
      %dma_start3A_65 = arith.constant 0 : i32
      %dma_start3A_66 = tpu.memref_slice %arg2[%dma_start3A_64, %dma_start3A_65] : memref<10000x16xf32, #tpu.memory_space<hbm>> -> memref<10000x16xf32, #tpu.memory_space<hbm>>
      tpu.enqueue_indirect_dma source(%dma_start3A_66 : memref<10000x16xf32, #tpu.memory_space<hbm>>) target(%arg10 : memref<80x16xf32, #tpu.memory_space<vmem>>) offsets(%arg8 : memref<80xi32, #tpu.memory_space<vmem>>) semaphore(%arg16 : memref<!tpu.dma_semaphore, #tpu.memory_space<semaphore_mem>>)
      %add3A_67 = arith.constant 1 : i32
      %add3A_68 = arith.addi %mul3A_29, %add3A_67 : i32
      %mul3A_69 = arith.constant 10000 : i32
      %mul3A_70 = arith.muli %add3A, %mul3A_69 : i32
      %mul3A_71 = arith.constant 80 : i32
      %mul3A_72 = arith.muli %add3A_68, %mul3A_71 : i32
      %add3A_73 = arith.addi %mul3A_70, %mul3A_72 : i32
      %dma_wait3A_74 = arith.constant 0 : i32
      %dma_wait3A_75 = arith.constant 0 : i32
      %dma_wait3A_76 = tpu.memref_slice %arg2[%dma_wait3A_74, %dma_wait3A_75] : memref<10000x16xf32, #tpu.memory_space<hbm>> -> memref<10000x16xf32, #tpu.memory_space<hbm>>
      tpu.wait_indirect_dma semaphore(%arg17 : memref<!tpu.dma_semaphore, #tpu.memory_space<semaphore_mem>>) src(%dma_wait3A_76 : memref<10000x16xf32, #tpu.memory_space<hbm>>) dst(%arg13 : memref<80x16xf32, #tpu.memory_space<vmem>>)
      %dma_wait3A_77 = arith.constant 0 : i32
      %dma_wait3A_78 = arith.constant 0 : i32
      %dma_wait3A_79 = tpu.memref_slice %arg2[%dma_wait3A_77, %dma_wait3A_78] : memref<10000x16xf32, #tpu.memory_space<hbm>> -> memref<10000x16xf32, #tpu.memory_space<hbm>>
      tpu.wait_indirect_dma semaphore(%arg18 : memref<!tpu.dma_semaphore, #tpu.memory_space<semaphore_mem>>) src(%dma_wait3A_79 : memref<10000x16xf32, #tpu.memory_space<hbm>>) dst(%arg14 : memref<80x16xf32, #tpu.memory_space<vmem>>)
      "tpu.region"() ({
        %run_scoped3A = tpu.sem_alloc : memref<!tpu.dma_semaphore, #tpu.memory_space<semaphore_mem>>
        %dma_start3A_80 = arith.constant 0 : i32
        %dma_start3A_81 = tpu.memref_slice %arg5[%add3A_73, %dma_start3A_80] : memref<320000x16xf32, #tpu.memory_space<hbm>> -> memref<80x16xf32, #tpu.memory_space<hbm>>
        %dma_start3A_82 = arith.constant 0 : i32
        %dma_start3A_83 = tpu.memref_slice %arg5[%add3A_73, %dma_start3A_82] : memref<320000x16xf32, #tpu.memory_space<hbm>> -> memref<80x16xf32, #tpu.memory_space<hbm>>
        tpu.enqueue_dma source(%arg13 : memref<80x16xf32, #tpu.memory_space<vmem>>) target(%dma_start3A_83 : memref<80x16xf32, #tpu.memory_space<hbm>>) target_semaphore(%run_scoped3A : memref<!tpu.dma_semaphore, #tpu.memory_space<semaphore_mem>>)
        %dma_wait3A_84 = arith.constant 0 : i32
        %dma_wait3A_85 = tpu.memref_slice %arg5[%add3A_73, %dma_wait3A_84] : memref<320000x16xf32, #tpu.memory_space<hbm>> -> memref<80x16xf32, #tpu.memory_space<hbm>>
        %dma_wait3A_86 = arith.constant 0 : i32
        %dma_wait3A_87 = tpu.memref_slice %arg5[%add3A_73, %dma_wait3A_86] : memref<320000x16xf32, #tpu.memory_space<hbm>> -> memref<80x16xf32, #tpu.memory_space<hbm>>
        tpu.wait_dma2 semaphore(%run_scoped3A : memref<!tpu.dma_semaphore, #tpu.memory_space<semaphore_mem>>) src(%arg13 : memref<80x16xf32, #tpu.memory_space<vmem>>) dst(%dma_wait3A_87 : memref<80x16xf32, #tpu.memory_space<hbm>>)
        tpu.yield
      }) : () -> ()
      "tpu.region"() ({
        %run_scoped3A = tpu.sem_alloc : memref<!tpu.dma_semaphore, #tpu.memory_space<semaphore_mem>>
        %dma_start3A_80 = arith.constant 0 : i32
        %dma_start3A_81 = tpu.memref_slice %arg6[%add3A_73, %dma_start3A_80] : memref<320000x16xf32, #tpu.memory_space<hbm>> -> memref<80x16xf32, #tpu.memory_space<hbm>>
        %dma_start3A_82 = arith.constant 0 : i32
        %dma_start3A_83 = tpu.memref_slice %arg6[%add3A_73, %dma_start3A_82] : memref<320000x16xf32, #tpu.memory_space<hbm>> -> memref<80x16xf32, #tpu.memory_space<hbm>>
        tpu.enqueue_dma source(%arg14 : memref<80x16xf32, #tpu.memory_space<vmem>>) target(%dma_start3A_83 : memref<80x16xf32, #tpu.memory_space<hbm>>) target_semaphore(%run_scoped3A : memref<!tpu.dma_semaphore, #tpu.memory_space<semaphore_mem>>)
        %dma_wait3A_84 = arith.constant 0 : i32
        %dma_wait3A_85 = tpu.memref_slice %arg6[%add3A_73, %dma_wait3A_84] : memref<320000x16xf32, #tpu.memory_space<hbm>> -> memref<80x16xf32, #tpu.memory_space<hbm>>
        %dma_wait3A_86 = arith.constant 0 : i32
        %dma_wait3A_87 = tpu.memref_slice %arg6[%add3A_73, %dma_wait3A_86] : memref<320000x16xf32, #tpu.memory_space<hbm>> -> memref<80x16xf32, #tpu.memory_space<hbm>>
        tpu.wait_dma2 semaphore(%run_scoped3A : memref<!tpu.dma_semaphore, #tpu.memory_space<semaphore_mem>>) src(%arg14 : memref<80x16xf32, #tpu.memory_space<vmem>>) dst(%dma_wait3A_87 : memref<80x16xf32, #tpu.memory_space<hbm>>)
        tpu.yield
      }) : () -> ()
    }
    %scan3A_13 = arith.constant 62 : i32
    %mul3A_14 = arith.constant 10000 : i32
    %mul3A_15 = arith.muli %add3A, %mul3A_14 : i32
    %add3A_16 = arith.constant 9920 : i32
    %add3A_17 = arith.addi %mul3A_15, %add3A_16 : i32
    %dma_wait3A = arith.constant 0 : i32
    %dma_wait3A_18 = arith.constant 0 : i32
    %dma_wait3A_19 = tpu.memref_slice %arg2[%dma_wait3A, %dma_wait3A_18] : memref<10000x16xf32, #tpu.memory_space<hbm>> -> memref<10000x16xf32, #tpu.memory_space<hbm>>
    tpu.wait_indirect_dma semaphore(%arg15 : memref<!tpu.dma_semaphore, #tpu.memory_space<semaphore_mem>>) src(%dma_wait3A_19 : memref<10000x16xf32, #tpu.memory_space<hbm>>) dst(%arg9 : memref<80x16xf32, #tpu.memory_space<vmem>>)
    %dma_wait3A_20 = arith.constant 0 : i32
    %dma_wait3A_21 = arith.constant 0 : i32
    %dma_wait3A_22 = tpu.memref_slice %arg2[%dma_wait3A_20, %dma_wait3A_21] : memref<10000x16xf32, #tpu.memory_space<hbm>> -> memref<10000x16xf32, #tpu.memory_space<hbm>>
    tpu.wait_indirect_dma semaphore(%arg16 : memref<!tpu.dma_semaphore, #tpu.memory_space<semaphore_mem>>) src(%dma_wait3A_22 : memref<10000x16xf32, #tpu.memory_space<hbm>>) dst(%arg10 : memref<80x16xf32, #tpu.memory_space<vmem>>)
    "tpu.region"() ({
      %run_scoped3A = tpu.sem_alloc : memref<!tpu.dma_semaphore, #tpu.memory_space<semaphore_mem>>
      %dma_start3A_23 = arith.constant 0 : i32
      %dma_start3A_24 = tpu.memref_slice %arg5[%add3A_17, %dma_start3A_23] : memref<320000x16xf32, #tpu.memory_space<hbm>> -> memref<80x16xf32, #tpu.memory_space<hbm>>
      %dma_start3A_25 = arith.constant 0 : i32
      %dma_start3A_26 = tpu.memref_slice %arg5[%add3A_17, %dma_start3A_25] : memref<320000x16xf32, #tpu.memory_space<hbm>> -> memref<80x16xf32, #tpu.memory_space<hbm>>
      tpu.enqueue_dma source(%arg9 : memref<80x16xf32, #tpu.memory_space<vmem>>) target(%dma_start3A_26 : memref<80x16xf32, #tpu.memory_space<hbm>>) target_semaphore(%run_scoped3A : memref<!tpu.dma_semaphore, #tpu.memory_space<semaphore_mem>>)
      %dma_wait3A_27 = arith.constant 0 : i32
      %dma_wait3A_28 = tpu.memref_slice %arg5[%add3A_17, %dma_wait3A_27] : memref<320000x16xf32, #tpu.memory_space<hbm>> -> memref<80x16xf32, #tpu.memory_space<hbm>>
      %dma_wait3A_29 = arith.constant 0 : i32
      %dma_wait3A_30 = tpu.memref_slice %arg5[%add3A_17, %dma_wait3A_29] : memref<320000x16xf32, #tpu.memory_space<hbm>> -> memref<80x16xf32, #tpu.memory_space<hbm>>
      tpu.wait_dma2 semaphore(%run_scoped3A : memref<!tpu.dma_semaphore, #tpu.memory_space<semaphore_mem>>) src(%arg9 : memref<80x16xf32, #tpu.memory_space<vmem>>) dst(%dma_wait3A_30 : memref<80x16xf32, #tpu.memory_space<hbm>>)
      tpu.yield
    }) : () -> ()
    "tpu.region"() ({
      %run_scoped3A = tpu.sem_alloc : memref<!tpu.dma_semaphore, #tpu.memory_space<semaphore_mem>>
      %dma_start3A_23 = arith.constant 0 : i32
      %dma_start3A_24 = tpu.memref_slice %arg6[%add3A_17, %dma_start3A_23] : memref<320000x16xf32, #tpu.memory_space<hbm>> -> memref<80x16xf32, #tpu.memory_space<hbm>>
      %dma_start3A_25 = arith.constant 0 : i32
      %dma_start3A_26 = tpu.memref_slice %arg6[%add3A_17, %dma_start3A_25] : memref<320000x16xf32, #tpu.memory_space<hbm>> -> memref<80x16xf32, #tpu.memory_space<hbm>>
      tpu.enqueue_dma source(%arg10 : memref<80x16xf32, #tpu.memory_space<vmem>>) target(%dma_start3A_26 : memref<80x16xf32, #tpu.memory_space<hbm>>) target_semaphore(%run_scoped3A : memref<!tpu.dma_semaphore, #tpu.memory_space<semaphore_mem>>)
      %dma_wait3A_27 = arith.constant 0 : i32
      %dma_wait3A_28 = tpu.memref_slice %arg6[%add3A_17, %dma_wait3A_27] : memref<320000x16xf32, #tpu.memory_space<hbm>> -> memref<80x16xf32, #tpu.memory_space<hbm>>
      %dma_wait3A_29 = arith.constant 0 : i32
      %dma_wait3A_30 = tpu.memref_slice %arg6[%add3A_17, %dma_wait3A_29] : memref<320000x16xf32, #tpu.memory_space<hbm>> -> memref<80x16xf32, #tpu.memory_space<hbm>>
      tpu.wait_dma2 semaphore(%run_scoped3A : memref<!tpu.dma_semaphore, #tpu.memory_space<semaphore_mem>>) src(%arg10 : memref<80x16xf32, #tpu.memory_space<vmem>>) dst(%dma_wait3A_30 : memref<80x16xf32, #tpu.memory_space<hbm>>)
      tpu.yield
    }) : () -> ()
    return
  }
}

#map = affine_map<(d0, d1) -> (0, 0)>
#map1 = affine_map<(d0, d1) -> (0)>
#map2 = affine_map<(d0, d1) -> (0, 0, 0)>
module attributes {stable_mosaic.version = 14 : i64} {
  func.func @_sc_conv_body(%arg0: i32, %arg1: i32, %arg2: memref<320000x128xf32, #tpu.memory_space<hbm>>, %arg3: memref<10000x128xf32, #tpu.memory_space<hbm>>, %arg4: memref<320000xi32, #tpu.memory_space<hbm>>, %arg5: memref<320000xi32, #tpu.memory_space<hbm>>, %arg6: memref<10000x128xf32, #tpu.memory_space<hbm>>, %arg7: memref<2x10000x128xf32, #tpu.memory_space<hbm>>, %arg8: memref<80xi32, #tpu.memory_space<vmem>>, %arg9: memref<80xi32, #tpu.memory_space<vmem>>, %arg10: memref<80x128xf32, #tpu.memory_space<vmem>>, %arg11: memref<80x128xf32, #tpu.memory_space<vmem>>, %arg12: memref<10000x128xf32, #tpu.memory_space<vmem_shared>>, %arg13: memref<!tpu.dma_semaphore, #tpu.memory_space<semaphore_mem>>) attributes {dimension_semantics = [#tpu.dimension_semantics<core_parallel>, #tpu.dimension_semantics<subcore_parallel>], iteration_bounds = array<i64: 2, 16>, scalar_prefetch = 0 : i64, scratch_operands = 6 : i64, tpu.core_type = #tpu.core_type<sc_vector_subcore>, window_params = [{transform_indices = #map}, {transform_indices = #map}, {transform_indices = #map1}, {transform_indices = #map1}, {transform_indices = #map}, {transform_indices = #map2}]} {
    %mul3A = arith.constant 2 : i32
    %mul3A_0 = arith.muli %arg1, %mul3A : i32
    %add3A = arith.addi %mul3A_0, %arg0 : i32
    %mul3A_1 = arith.constant 625 : i32
    %mul3A_2 = arith.muli %arg1, %mul3A_1 : i32
    "tpu.region"() ({
      %run_scoped3A = tpu.sem_alloc : memref<!tpu.dma_semaphore, #tpu.memory_space<semaphore_mem>>
      %dma_start3A = arith.constant 0 : i32
      %dma_start3A_8 = tpu.memref_slice %arg12[%mul3A_2, %dma_start3A] : memref<10000x128xf32, #tpu.memory_space<vmem_shared>> -> memref<625x128xf32, #tpu.memory_space<vmem_shared>>
      %dma_start3A_9 = arith.constant 0 : i32
      %dma_start3A_10 = tpu.memref_slice %arg6[%mul3A_2, %dma_start3A_9] : memref<10000x128xf32, #tpu.memory_space<hbm>> -> memref<625x128xf32, #tpu.memory_space<hbm>>
      tpu.enqueue_dma source(%dma_start3A_10 : memref<625x128xf32, #tpu.memory_space<hbm>>) target(%dma_start3A_8 : memref<625x128xf32, #tpu.memory_space<vmem_shared>>) target_semaphore(%run_scoped3A : memref<!tpu.dma_semaphore, #tpu.memory_space<semaphore_mem>>)
      %dma_wait3A = arith.constant 0 : i32
      %dma_wait3A_11 = tpu.memref_slice %arg12[%mul3A_2, %dma_wait3A] : memref<10000x128xf32, #tpu.memory_space<vmem_shared>> -> memref<625x128xf32, #tpu.memory_space<vmem_shared>>
      %dma_wait3A_12 = arith.constant 0 : i32
      %dma_wait3A_13 = tpu.memref_slice %arg6[%mul3A_2, %dma_wait3A_12] : memref<10000x128xf32, #tpu.memory_space<hbm>> -> memref<625x128xf32, #tpu.memory_space<hbm>>
      tpu.wait_dma2 semaphore(%run_scoped3A : memref<!tpu.dma_semaphore, #tpu.memory_space<semaphore_mem>>) src(%dma_wait3A_13 : memref<625x128xf32, #tpu.memory_space<hbm>>) dst(%dma_wait3A_11 : memref<625x128xf32, #tpu.memory_space<vmem_shared>>)
      tpu.yield
    }) : () -> ()
    %barrier3A = arith.constant 0 : index
    tpu.barrier barrier_id(%barrier3A)
    %scan3A = arith.constant 0 : i32
    %scan3A_3 = arith.constant 125 : i32
    %scan3A_4 = arith.addi %scan3A, %scan3A_3 : i32
    %scan3A_5 = arith.constant 1 : i32
    scf.for %scan3A_8 = %scan3A to %scan3A_4 step %scan3A_5  : i32 {
      %mul3A_9 = arith.constant 1 : i32
      %mul3A_10 = arith.muli %scan3A_8, %mul3A_9 : i32
      %add3A_11 = arith.constant 0 : i32
      %add3A_12 = arith.addi %add3A_11, %mul3A_10 : i32
      %mul3A_13 = arith.constant 10000 : i32
      %mul3A_14 = arith.muli %add3A, %mul3A_13 : i32
      %mul3A_15 = arith.constant 80 : i32
      %mul3A_16 = arith.muli %add3A_12, %mul3A_15 : i32
      %add3A_17 = arith.addi %mul3A_14, %mul3A_16 : i32
      "tpu.region"() ({
        %run_scoped3A = tpu.sem_alloc : memref<!tpu.dma_semaphore, #tpu.memory_space<semaphore_mem>>
        %dma_start3A_27 = tpu.memref_slice %arg4[%add3A_17] : memref<320000xi32, #tpu.memory_space<hbm>> -> memref<80xi32, #tpu.memory_space<hbm>>
        %dma_start3A_28 = tpu.memref_slice %arg4[%add3A_17] : memref<320000xi32, #tpu.memory_space<hbm>> -> memref<80xi32, #tpu.memory_space<hbm>>
        tpu.enqueue_dma source(%dma_start3A_28 : memref<80xi32, #tpu.memory_space<hbm>>) target(%arg8 : memref<80xi32, #tpu.memory_space<vmem>>) target_semaphore(%run_scoped3A : memref<!tpu.dma_semaphore, #tpu.memory_space<semaphore_mem>>)
        %dma_wait3A_29 = tpu.memref_slice %arg4[%add3A_17] : memref<320000xi32, #tpu.memory_space<hbm>> -> memref<80xi32, #tpu.memory_space<hbm>>
        %dma_wait3A_30 = tpu.memref_slice %arg4[%add3A_17] : memref<320000xi32, #tpu.memory_space<hbm>> -> memref<80xi32, #tpu.memory_space<hbm>>
        tpu.wait_dma2 semaphore(%run_scoped3A : memref<!tpu.dma_semaphore, #tpu.memory_space<semaphore_mem>>) src(%dma_wait3A_30 : memref<80xi32, #tpu.memory_space<hbm>>) dst(%arg8 : memref<80xi32, #tpu.memory_space<vmem>>)
        tpu.yield
      }) : () -> ()
      "tpu.region"() ({
        %run_scoped3A = tpu.sem_alloc : memref<!tpu.dma_semaphore, #tpu.memory_space<semaphore_mem>>
        %dma_start3A_27 = tpu.memref_slice %arg5[%add3A_17] : memref<320000xi32, #tpu.memory_space<hbm>> -> memref<80xi32, #tpu.memory_space<hbm>>
        %dma_start3A_28 = tpu.memref_slice %arg5[%add3A_17] : memref<320000xi32, #tpu.memory_space<hbm>> -> memref<80xi32, #tpu.memory_space<hbm>>
        tpu.enqueue_dma source(%dma_start3A_28 : memref<80xi32, #tpu.memory_space<hbm>>) target(%arg9 : memref<80xi32, #tpu.memory_space<vmem>>) target_semaphore(%run_scoped3A : memref<!tpu.dma_semaphore, #tpu.memory_space<semaphore_mem>>)
        %dma_wait3A_29 = tpu.memref_slice %arg5[%add3A_17] : memref<320000xi32, #tpu.memory_space<hbm>> -> memref<80xi32, #tpu.memory_space<hbm>>
        %dma_wait3A_30 = tpu.memref_slice %arg5[%add3A_17] : memref<320000xi32, #tpu.memory_space<hbm>> -> memref<80xi32, #tpu.memory_space<hbm>>
        tpu.wait_dma2 semaphore(%run_scoped3A : memref<!tpu.dma_semaphore, #tpu.memory_space<semaphore_mem>>) src(%dma_wait3A_30 : memref<80xi32, #tpu.memory_space<hbm>>) dst(%arg9 : memref<80xi32, #tpu.memory_space<vmem>>)
        tpu.yield
      }) : () -> ()
      %dma_start3A = arith.constant 0 : i32
      %dma_start3A_18 = arith.constant 0 : i32
      %dma_start3A_19 = tpu.memref_slice %arg3[%dma_start3A, %dma_start3A_18] : memref<10000x128xf32, #tpu.memory_space<hbm>> -> memref<10000x128xf32, #tpu.memory_space<hbm>>
      tpu.enqueue_indirect_dma source(%dma_start3A_19 : memref<10000x128xf32, #tpu.memory_space<hbm>>) target(%arg11 : memref<80x128xf32, #tpu.memory_space<vmem>>) offsets(%arg8 : memref<80xi32, #tpu.memory_space<vmem>>) semaphore(%arg13 : memref<!tpu.dma_semaphore, #tpu.memory_space<semaphore_mem>>)
      "tpu.region"() ({
        %run_scoped3A = tpu.sem_alloc : memref<!tpu.dma_semaphore, #tpu.memory_space<semaphore_mem>>
        %dma_start3A_27 = arith.constant 0 : i32
        %dma_start3A_28 = tpu.memref_slice %arg2[%add3A_17, %dma_start3A_27] : memref<320000x128xf32, #tpu.memory_space<hbm>> -> memref<80x128xf32, #tpu.memory_space<hbm>>
        %dma_start3A_29 = arith.constant 0 : i32
        %dma_start3A_30 = tpu.memref_slice %arg2[%add3A_17, %dma_start3A_29] : memref<320000x128xf32, #tpu.memory_space<hbm>> -> memref<80x128xf32, #tpu.memory_space<hbm>>
        tpu.enqueue_dma source(%dma_start3A_30 : memref<80x128xf32, #tpu.memory_space<hbm>>) target(%arg10 : memref<80x128xf32, #tpu.memory_space<vmem>>) target_semaphore(%run_scoped3A : memref<!tpu.dma_semaphore, #tpu.memory_space<semaphore_mem>>)
        %dma_wait3A_31 = arith.constant 0 : i32
        %dma_wait3A_32 = tpu.memref_slice %arg2[%add3A_17, %dma_wait3A_31] : memref<320000x128xf32, #tpu.memory_space<hbm>> -> memref<80x128xf32, #tpu.memory_space<hbm>>
        %dma_wait3A_33 = arith.constant 0 : i32
        %dma_wait3A_34 = tpu.memref_slice %arg2[%add3A_17, %dma_wait3A_33] : memref<320000x128xf32, #tpu.memory_space<hbm>> -> memref<80x128xf32, #tpu.memory_space<hbm>>
        tpu.wait_dma2 semaphore(%run_scoped3A : memref<!tpu.dma_semaphore, #tpu.memory_space<semaphore_mem>>) src(%dma_wait3A_34 : memref<80x128xf32, #tpu.memory_space<hbm>>) dst(%arg10 : memref<80x128xf32, #tpu.memory_space<vmem>>)
        tpu.yield
      }) : () -> ()
      %dma_wait3A = arith.constant 0 : i32
      %dma_wait3A_20 = arith.constant 0 : i32
      %dma_wait3A_21 = tpu.memref_slice %arg3[%dma_wait3A, %dma_wait3A_20] : memref<10000x128xf32, #tpu.memory_space<hbm>> -> memref<10000x128xf32, #tpu.memory_space<hbm>>
      tpu.wait_indirect_dma semaphore(%arg13 : memref<!tpu.dma_semaphore, #tpu.memory_space<semaphore_mem>>) src(%dma_wait3A_21 : memref<10000x128xf32, #tpu.memory_space<hbm>>) dst(%arg11 : memref<80x128xf32, #tpu.memory_space<vmem>>)
      %scan3A_22 = arith.constant 0 : i32
      %scan3A_23 = arith.constant 80 : i32
      %scan3A_24 = arith.addi %scan3A_22, %scan3A_23 : i32
      %scan3A_25 = arith.constant 1 : i32
      scf.for %scan3A_27 = %scan3A_22 to %scan3A_24 step %scan3A_25  : i32 {
        %mul3A_28 = arith.constant 1 : i32
        %mul3A_29 = arith.muli %scan3A_27, %mul3A_28 : i32
        %add3A_30 = arith.constant 0 : i32
        %add3A_31 = arith.addi %add3A_30, %mul3A_29 : i32
        %get3A = arith.index_cast %add3A_31 : i32 to index
        %get3A_32 = arith.constant 0 : index
        %get3A_33 = tpu.vector_load %arg11[%get3A, %get3A_32] {strides = array<i32>} : memref<80x128xf32, #tpu.memory_space<vmem>>, vector<1x16xf32>,
        %get3A_34 = vector.shape_cast %get3A_33 : vector<1x16xf32> to vector<16xf32>
        %get3A_35 = arith.index_cast %add3A_31 : i32 to index
        %get3A_36 = arith.constant 0 : index
        %get3A_37 = tpu.vector_load %arg10[%get3A_35, %get3A_36] {strides = array<i32>} : memref<80x128xf32, #tpu.memory_space<vmem>>, vector<1x16xf32>,
        %get3A_38 = vector.shape_cast %get3A_37 : vector<1x16xf32> to vector<16xf32>
        %mul3A_39 = arith.mulf %get3A_34, %get3A_38 : vector<16xf32>
        %swap3A = arith.index_cast %add3A_31 : i32 to index
        %swap3A_40 = arith.constant 0 : index
        %swap3A_41 = tpu.vector_load %arg11[%swap3A, %swap3A_40] {strides = array<i32>} : memref<80x128xf32, #tpu.memory_space<vmem>>, vector<1x16xf32>,
        %swap3A_42 = vector.shape_cast %swap3A_41 : vector<1x16xf32> to vector<16xf32>
        %swap3A_43 = vector.shape_cast %mul3A_39 : vector<16xf32> to vector<1x16xf32>
        tpu.vector_store %arg11[%swap3A, %swap3A_40], %swap3A_43 {strides = array<i32>} : memref<80x128xf32, #tpu.memory_space<vmem>>, vector<1x16xf32>,
        %get3A_44 = arith.index_cast %add3A_31 : i32 to index
        %get3A_45 = arith.constant 16 : index
        %get3A_46 = tpu.vector_load %arg11[%get3A_44, %get3A_45] {strides = array<i32>} : memref<80x128xf32, #tpu.memory_space<vmem>>, vector<1x16xf32>,
        %get3A_47 = vector.shape_cast %get3A_46 : vector<1x16xf32> to vector<16xf32>
        %get3A_48 = arith.index_cast %add3A_31 : i32 to index
        %get3A_49 = arith.constant 16 : index
        %get3A_50 = tpu.vector_load %arg10[%get3A_48, %get3A_49] {strides = array<i32>} : memref<80x128xf32, #tpu.memory_space<vmem>>, vector<1x16xf32>,
        %get3A_51 = vector.shape_cast %get3A_50 : vector<1x16xf32> to vector<16xf32>
        %mul3A_52 = arith.mulf %get3A_47, %get3A_51 : vector<16xf32>
        %swap3A_53 = arith.index_cast %add3A_31 : i32 to index
        %swap3A_54 = arith.constant 16 : index
        %swap3A_55 = tpu.vector_load %arg11[%swap3A_53, %swap3A_54] {strides = array<i32>} : memref<80x128xf32, #tpu.memory_space<vmem>>, vector<1x16xf32>,
        %swap3A_56 = vector.shape_cast %swap3A_55 : vector<1x16xf32> to vector<16xf32>
        %swap3A_57 = vector.shape_cast %mul3A_52 : vector<16xf32> to vector<1x16xf32>
        tpu.vector_store %arg11[%swap3A_53, %swap3A_54], %swap3A_57 {strides = array<i32>} : memref<80x128xf32, #tpu.memory_space<vmem>>, vector<1x16xf32>,
        %get3A_58 = arith.index_cast %add3A_31 : i32 to index
        %get3A_59 = arith.constant 32 : index
        %get3A_60 = tpu.vector_load %arg11[%get3A_58, %get3A_59] {strides = array<i32>} : memref<80x128xf32, #tpu.memory_space<vmem>>, vector<1x16xf32>,
        %get3A_61 = vector.shape_cast %get3A_60 : vector<1x16xf32> to vector<16xf32>
        %get3A_62 = arith.index_cast %add3A_31 : i32 to index
        %get3A_63 = arith.constant 32 : index
        %get3A_64 = tpu.vector_load %arg10[%get3A_62, %get3A_63] {strides = array<i32>} : memref<80x128xf32, #tpu.memory_space<vmem>>, vector<1x16xf32>,
        %get3A_65 = vector.shape_cast %get3A_64 : vector<1x16xf32> to vector<16xf32>
        %mul3A_66 = arith.mulf %get3A_61, %get3A_65 : vector<16xf32>
        %swap3A_67 = arith.index_cast %add3A_31 : i32 to index
        %swap3A_68 = arith.constant 32 : index
        %swap3A_69 = tpu.vector_load %arg11[%swap3A_67, %swap3A_68] {strides = array<i32>} : memref<80x128xf32, #tpu.memory_space<vmem>>, vector<1x16xf32>,
        %swap3A_70 = vector.shape_cast %swap3A_69 : vector<1x16xf32> to vector<16xf32>
        %swap3A_71 = vector.shape_cast %mul3A_66 : vector<16xf32> to vector<1x16xf32>
        tpu.vector_store %arg11[%swap3A_67, %swap3A_68], %swap3A_71 {strides = array<i32>} : memref<80x128xf32, #tpu.memory_space<vmem>>, vector<1x16xf32>,
        %get3A_72 = arith.index_cast %add3A_31 : i32 to index
        %get3A_73 = arith.constant 48 : index
        %get3A_74 = tpu.vector_load %arg11[%get3A_72, %get3A_73] {strides = array<i32>} : memref<80x128xf32, #tpu.memory_space<vmem>>, vector<1x16xf32>,
        %get3A_75 = vector.shape_cast %get3A_74 : vector<1x16xf32> to vector<16xf32>
        %get3A_76 = arith.index_cast %add3A_31 : i32 to index
        %get3A_77 = arith.constant 48 : index
        %get3A_78 = tpu.vector_load %arg10[%get3A_76, %get3A_77] {strides = array<i32>} : memref<80x128xf32, #tpu.memory_space<vmem>>, vector<1x16xf32>,
        %get3A_79 = vector.shape_cast %get3A_78 : vector<1x16xf32> to vector<16xf32>
        %mul3A_80 = arith.mulf %get3A_75, %get3A_79 : vector<16xf32>
        %swap3A_81 = arith.index_cast %add3A_31 : i32 to index
        %swap3A_82 = arith.constant 48 : index
        %swap3A_83 = tpu.vector_load %arg11[%swap3A_81, %swap3A_82] {strides = array<i32>} : memref<80x128xf32, #tpu.memory_space<vmem>>, vector<1x16xf32>,
        %swap3A_84 = vector.shape_cast %swap3A_83 : vector<1x16xf32> to vector<16xf32>
        %swap3A_85 = vector.shape_cast %mul3A_80 : vector<16xf32> to vector<1x16xf32>
        tpu.vector_store %arg11[%swap3A_81, %swap3A_82], %swap3A_85 {strides = array<i32>} : memref<80x128xf32, #tpu.memory_space<vmem>>, vector<1x16xf32>,
        %get3A_86 = arith.index_cast %add3A_31 : i32 to index
        %get3A_87 = arith.constant 64 : index
        %get3A_88 = tpu.vector_load %arg11[%get3A_86, %get3A_87] {strides = array<i32>} : memref<80x128xf32, #tpu.memory_space<vmem>>, vector<1x16xf32>,
        %get3A_89 = vector.shape_cast %get3A_88 : vector<1x16xf32> to vector<16xf32>
        %get3A_90 = arith.index_cast %add3A_31 : i32 to index
        %get3A_91 = arith.constant 64 : index
        %get3A_92 = tpu.vector_load %arg10[%get3A_90, %get3A_91] {strides = array<i32>} : memref<80x128xf32, #tpu.memory_space<vmem>>, vector<1x16xf32>,
        %get3A_93 = vector.shape_cast %get3A_92 : vector<1x16xf32> to vector<16xf32>
        %mul3A_94 = arith.mulf %get3A_89, %get3A_93 : vector<16xf32>
        %swap3A_95 = arith.index_cast %add3A_31 : i32 to index
        %swap3A_96 = arith.constant 64 : index
        %swap3A_97 = tpu.vector_load %arg11[%swap3A_95, %swap3A_96] {strides = array<i32>} : memref<80x128xf32, #tpu.memory_space<vmem>>, vector<1x16xf32>,
        %swap3A_98 = vector.shape_cast %swap3A_97 : vector<1x16xf32> to vector<16xf32>
        %swap3A_99 = vector.shape_cast %mul3A_94 : vector<16xf32> to vector<1x16xf32>
        tpu.vector_store %arg11[%swap3A_95, %swap3A_96], %swap3A_99 {strides = array<i32>} : memref<80x128xf32, #tpu.memory_space<vmem>>, vector<1x16xf32>,
        %get3A_100 = arith.index_cast %add3A_31 : i32 to index
        %get3A_101 = arith.constant 80 : index
        %get3A_102 = tpu.vector_load %arg11[%get3A_100, %get3A_101] {strides = array<i32>} : memref<80x128xf32, #tpu.memory_space<vmem>>, vector<1x16xf32>,
        %get3A_103 = vector.shape_cast %get3A_102 : vector<1x16xf32> to vector<16xf32>
        %get3A_104 = arith.index_cast %add3A_31 : i32 to index
        %get3A_105 = arith.constant 80 : index
        %get3A_106 = tpu.vector_load %arg10[%get3A_104, %get3A_105] {strides = array<i32>} : memref<80x128xf32, #tpu.memory_space<vmem>>, vector<1x16xf32>,
        %get3A_107 = vector.shape_cast %get3A_106 : vector<1x16xf32> to vector<16xf32>
        %mul3A_108 = arith.mulf %get3A_103, %get3A_107 : vector<16xf32>
        %swap3A_109 = arith.index_cast %add3A_31 : i32 to index
        %swap3A_110 = arith.constant 80 : index
        %swap3A_111 = tpu.vector_load %arg11[%swap3A_109, %swap3A_110] {strides = array<i32>} : memref<80x128xf32, #tpu.memory_space<vmem>>, vector<1x16xf32>,
        %swap3A_112 = vector.shape_cast %swap3A_111 : vector<1x16xf32> to vector<16xf32>
        %swap3A_113 = vector.shape_cast %mul3A_108 : vector<16xf32> to vector<1x16xf32>
        tpu.vector_store %arg11[%swap3A_109, %swap3A_110], %swap3A_113 {strides = array<i32>} : memref<80x128xf32, #tpu.memory_space<vmem>>, vector<1x16xf32>,
        %get3A_114 = arith.index_cast %add3A_31 : i32 to index
        %get3A_115 = arith.constant 96 : index
        %get3A_116 = tpu.vector_load %arg11[%get3A_114, %get3A_115] {strides = array<i32>} : memref<80x128xf32, #tpu.memory_space<vmem>>, vector<1x16xf32>,
        %get3A_117 = vector.shape_cast %get3A_116 : vector<1x16xf32> to vector<16xf32>
        %get3A_118 = arith.index_cast %add3A_31 : i32 to index
        %get3A_119 = arith.constant 96 : index
        %get3A_120 = tpu.vector_load %arg10[%get3A_118, %get3A_119] {strides = array<i32>} : memref<80x128xf32, #tpu.memory_space<vmem>>, vector<1x16xf32>,
        %get3A_121 = vector.shape_cast %get3A_120 : vector<1x16xf32> to vector<16xf32>
        %mul3A_122 = arith.mulf %get3A_117, %get3A_121 : vector<16xf32>
        %swap3A_123 = arith.index_cast %add3A_31 : i32 to index
        %swap3A_124 = arith.constant 96 : index
        %swap3A_125 = tpu.vector_load %arg11[%swap3A_123, %swap3A_124] {strides = array<i32>} : memref<80x128xf32, #tpu.memory_space<vmem>>, vector<1x16xf32>,
        %swap3A_126 = vector.shape_cast %swap3A_125 : vector<1x16xf32> to vector<16xf32>
        %swap3A_127 = vector.shape_cast %mul3A_122 : vector<16xf32> to vector<1x16xf32>
        tpu.vector_store %arg11[%swap3A_123, %swap3A_124], %swap3A_127 {strides = array<i32>} : memref<80x128xf32, #tpu.memory_space<vmem>>, vector<1x16xf32>,
        %get3A_128 = arith.index_cast %add3A_31 : i32 to index
        %get3A_129 = arith.constant 112 : index
        %get3A_130 = tpu.vector_load %arg11[%get3A_128, %get3A_129] {strides = array<i32>} : memref<80x128xf32, #tpu.memory_space<vmem>>, vector<1x16xf32>,
        %get3A_131 = vector.shape_cast %get3A_130 : vector<1x16xf32> to vector<16xf32>
        %get3A_132 = arith.index_cast %add3A_31 : i32 to index
        %get3A_133 = arith.constant 112 : index
        %get3A_134 = tpu.vector_load %arg10[%get3A_132, %get3A_133] {strides = array<i32>} : memref<80x128xf32, #tpu.memory_space<vmem>>, vector<1x16xf32>,
        %get3A_135 = vector.shape_cast %get3A_134 : vector<1x16xf32> to vector<16xf32>
        %mul3A_136 = arith.mulf %get3A_131, %get3A_135 : vector<16xf32>
        %swap3A_137 = arith.index_cast %add3A_31 : i32 to index
        %swap3A_138 = arith.constant 112 : index
        %swap3A_139 = tpu.vector_load %arg11[%swap3A_137, %swap3A_138] {strides = array<i32>} : memref<80x128xf32, #tpu.memory_space<vmem>>, vector<1x16xf32>,
        %swap3A_140 = vector.shape_cast %swap3A_139 : vector<1x16xf32> to vector<16xf32>
        %swap3A_141 = vector.shape_cast %mul3A_136 : vector<16xf32> to vector<1x16xf32>
        tpu.vector_store %arg11[%swap3A_137, %swap3A_138], %swap3A_141 {strides = array<i32>} : memref<80x128xf32, #tpu.memory_space<vmem>>, vector<1x16xf32>,
      }
      %scan3A_26 = arith.constant 80 : i32
      "tpu.region"() ({
        %run_scoped3A = tpu.sem_alloc : memref<!tpu.dma_semaphore, #tpu.memory_space<semaphore_mem>>
        %dma_start3A_27 = arith.constant 0 : i32
        %dma_start3A_28 = arith.constant 0 : i32
        %dma_start3A_29 = tpu.memref_slice %arg12[%dma_start3A_27, %dma_start3A_28] : memref<10000x128xf32, #tpu.memory_space<vmem_shared>> -> memref<10000x128xf32, #tpu.memory_space<vmem_shared>>
        tpu.enqueue_indirect_dma source(%arg11 : memref<80x128xf32, #tpu.memory_space<vmem>>) target(%dma_start3A_29 : memref<10000x128xf32, #tpu.memory_space<vmem_shared>>) offsets(%arg9 : memref<80xi32, #tpu.memory_space<vmem>>) semaphore(%run_scoped3A : memref<!tpu.dma_semaphore, #tpu.memory_space<semaphore_mem>>) {add = true}
        %dma_wait3A_30 = arith.constant 0 : i32
        %dma_wait3A_31 = arith.constant 0 : i32
        %dma_wait3A_32 = tpu.memref_slice %arg12[%dma_wait3A_30, %dma_wait3A_31] : memref<10000x128xf32, #tpu.memory_space<vmem_shared>> -> memref<10000x128xf32, #tpu.memory_space<vmem_shared>>
        tpu.wait_indirect_dma semaphore(%run_scoped3A : memref<!tpu.dma_semaphore, #tpu.memory_space<semaphore_mem>>) src(%arg11 : memref<80x128xf32, #tpu.memory_space<vmem>>) dst(%dma_wait3A_32 : memref<10000x128xf32, #tpu.memory_space<vmem_shared>>)
        tpu.yield
      }) : () -> ()
    }
    %scan3A_6 = arith.constant 125 : i32
    %barrier3A_7 = arith.constant 0 : index
    tpu.barrier barrier_id(%barrier3A_7)
    "tpu.region"() ({
      %run_scoped3A = tpu.sem_alloc : memref<!tpu.dma_semaphore, #tpu.memory_space<semaphore_mem>>
      %dma_start3A = arith.constant 0 : i32
      %dma_start3A_8 = tpu.memref_slice %arg7[%arg0, %mul3A_2, %dma_start3A] : memref<2x10000x128xf32, #tpu.memory_space<hbm>> -> memref<1x625x128xf32, #tpu.memory_space<hbm>>
      %dma_start3A_9 = tpu.memref_squeeze %dma_start3A_8 : memref<1x625x128xf32, #tpu.memory_space<hbm>> -> memref<625x128xf32, #tpu.memory_space<hbm>>
      %dma_start3A_10 = arith.constant 0 : i32
      %dma_start3A_11 = tpu.memref_slice %arg12[%mul3A_2, %dma_start3A_10] : memref<10000x128xf32, #tpu.memory_space<vmem_shared>> -> memref<625x128xf32, #tpu.memory_space<vmem_shared>>
      tpu.enqueue_dma source(%dma_start3A_11 : memref<625x128xf32, #tpu.memory_space<vmem_shared>>) target(%dma_start3A_9 : memref<625x128xf32, #tpu.memory_space<hbm>>) target_semaphore(%run_scoped3A : memref<!tpu.dma_semaphore, #tpu.memory_space<semaphore_mem>>)
      %dma_wait3A = arith.constant 0 : i32
      %dma_wait3A_12 = tpu.memref_slice %arg7[%arg0, %mul3A_2, %dma_wait3A] : memref<2x10000x128xf32, #tpu.memory_space<hbm>> -> memref<1x625x128xf32, #tpu.memory_space<hbm>>
      %dma_wait3A_13 = tpu.memref_squeeze %dma_wait3A_12 : memref<1x625x128xf32, #tpu.memory_space<hbm>> -> memref<625x128xf32, #tpu.memory_space<hbm>>
      %dma_wait3A_14 = arith.constant 0 : i32
      %dma_wait3A_15 = tpu.memref_slice %arg12[%mul3A_2, %dma_wait3A_14] : memref<10000x128xf32, #tpu.memory_space<vmem_shared>> -> memref<625x128xf32, #tpu.memory_space<vmem_shared>>
      tpu.wait_dma2 semaphore(%run_scoped3A : memref<!tpu.dma_semaphore, #tpu.memory_space<semaphore_mem>>) src(%dma_wait3A_15 : memref<625x128xf32, #tpu.memory_space<vmem_shared>>) dst(%dma_wait3A_13 : memref<625x128xf32, #tpu.memory_space<hbm>>)
      tpu.yield
    }) : () -> ()
    return
  }
}

#map = affine_map<(d0, d1) -> (0, 0)>
#map1 = affine_map<(d0, d1) -> (0)>
#map2 = affine_map<(d0, d1) -> (0, 0, 0)>
module attributes {stable_mosaic.version = 14 : i64} {
  func.func @_sc_attn_body(%arg0: i32, %arg1: i32, %arg2: memref<320000x64xf32, #tpu.memory_space<hbm>>, %arg3: memref<320000xi32, #tpu.memory_space<hbm>>, %arg4: memref<10000x64xf32, #tpu.memory_space<hbm>>, %arg5: memref<2x10000x64xf32, #tpu.memory_space<hbm>>, %arg6: memref<80xi32, #tpu.memory_space<vmem>>, %arg7: memref<80x64xf32, #tpu.memory_space<vmem>>, %arg8: memref<80xi32, #tpu.memory_space<vmem>>, %arg9: memref<80x64xf32, #tpu.memory_space<vmem>>, %arg10: memref<!tpu.dma_semaphore, #tpu.memory_space<semaphore_mem>>, %arg11: memref<!tpu.dma_semaphore, #tpu.memory_space<semaphore_mem>>, %arg12: memref<10000x64xf32, #tpu.memory_space<vmem_shared>>) attributes {dimension_semantics = [#tpu.dimension_semantics<core_parallel>, #tpu.dimension_semantics<subcore_parallel>], iteration_bounds = array<i64: 2, 16>, scalar_prefetch = 0 : i64, scratch_operands = 7 : i64, tpu.core_type = #tpu.core_type<sc_vector_subcore>, window_params = [{transform_indices = #map}, {transform_indices = #map1}, {transform_indices = #map}, {transform_indices = #map2}]} {
    %mul3A = arith.constant 2 : i32
    %mul3A_0 = arith.muli %arg1, %mul3A : i32
    %add3A = arith.addi %mul3A_0, %arg0 : i32
    %mul3A_1 = arith.constant 625 : i32
    %mul3A_2 = arith.muli %arg1, %mul3A_1 : i32
    "tpu.region"() ({
      %run_scoped3A = tpu.sem_alloc : memref<!tpu.dma_semaphore, #tpu.memory_space<semaphore_mem>>
      %dma_start3A_22 = arith.constant 0 : i32
      %dma_start3A_23 = tpu.memref_slice %arg12[%mul3A_2, %dma_start3A_22] : memref<10000x64xf32, #tpu.memory_space<vmem_shared>> -> memref<625x64xf32, #tpu.memory_space<vmem_shared>>
      %dma_start3A_24 = arith.constant 0 : i32
      %dma_start3A_25 = tpu.memref_slice %arg4[%mul3A_2, %dma_start3A_24] : memref<10000x64xf32, #tpu.memory_space<hbm>> -> memref<625x64xf32, #tpu.memory_space<hbm>>
      tpu.enqueue_dma source(%dma_start3A_25 : memref<625x64xf32, #tpu.memory_space<hbm>>) target(%dma_start3A_23 : memref<625x64xf32, #tpu.memory_space<vmem_shared>>) target_semaphore(%run_scoped3A : memref<!tpu.dma_semaphore, #tpu.memory_space<semaphore_mem>>)
      %dma_wait3A_26 = arith.constant 0 : i32
      %dma_wait3A_27 = tpu.memref_slice %arg12[%mul3A_2, %dma_wait3A_26] : memref<10000x64xf32, #tpu.memory_space<vmem_shared>> -> memref<625x64xf32, #tpu.memory_space<vmem_shared>>
      %dma_wait3A_28 = arith.constant 0 : i32
      %dma_wait3A_29 = tpu.memref_slice %arg4[%mul3A_2, %dma_wait3A_28] : memref<10000x64xf32, #tpu.memory_space<hbm>> -> memref<625x64xf32, #tpu.memory_space<hbm>>
      tpu.wait_dma2 semaphore(%run_scoped3A : memref<!tpu.dma_semaphore, #tpu.memory_space<semaphore_mem>>) src(%dma_wait3A_29 : memref<625x64xf32, #tpu.memory_space<hbm>>) dst(%dma_wait3A_27 : memref<625x64xf32, #tpu.memory_space<vmem_shared>>)
      tpu.yield
    }) : () -> ()
    %barrier3A = arith.constant 0 : index
    tpu.barrier barrier_id(%barrier3A)
    %mul3A_3 = arith.constant 10000 : i32
    %mul3A_4 = arith.muli %add3A, %mul3A_3 : i32
    %add3A_5 = arith.constant 0 : i32
    %add3A_6 = arith.addi %mul3A_4, %add3A_5 : i32
    "tpu.region"() ({
      %run_scoped3A = tpu.sem_alloc : memref<!tpu.dma_semaphore, #tpu.memory_space<semaphore_mem>>
      %dma_start3A_22 = tpu.memref_slice %arg3[%add3A_6] : memref<320000xi32, #tpu.memory_space<hbm>> -> memref<80xi32, #tpu.memory_space<hbm>>
      %dma_start3A_23 = tpu.memref_slice %arg3[%add3A_6] : memref<320000xi32, #tpu.memory_space<hbm>> -> memref<80xi32, #tpu.memory_space<hbm>>
      tpu.enqueue_dma source(%dma_start3A_23 : memref<80xi32, #tpu.memory_space<hbm>>) target(%arg6 : memref<80xi32, #tpu.memory_space<vmem>>) target_semaphore(%run_scoped3A : memref<!tpu.dma_semaphore, #tpu.memory_space<semaphore_mem>>)
      %dma_wait3A_24 = tpu.memref_slice %arg3[%add3A_6] : memref<320000xi32, #tpu.memory_space<hbm>> -> memref<80xi32, #tpu.memory_space<hbm>>
      %dma_wait3A_25 = tpu.memref_slice %arg3[%add3A_6] : memref<320000xi32, #tpu.memory_space<hbm>> -> memref<80xi32, #tpu.memory_space<hbm>>
      tpu.wait_dma2 semaphore(%run_scoped3A : memref<!tpu.dma_semaphore, #tpu.memory_space<semaphore_mem>>) src(%dma_wait3A_25 : memref<80xi32, #tpu.memory_space<hbm>>) dst(%arg6 : memref<80xi32, #tpu.memory_space<vmem>>)
      tpu.yield
    }) : () -> ()
    %dma_start3A = arith.constant 0 : i32
    %dma_start3A_7 = tpu.memref_slice %arg2[%add3A_6, %dma_start3A] : memref<320000x64xf32, #tpu.memory_space<hbm>> -> memref<80x64xf32, #tpu.memory_space<hbm>>
    %dma_start3A_8 = arith.constant 0 : i32
    %dma_start3A_9 = tpu.memref_slice %arg2[%add3A_6, %dma_start3A_8] : memref<320000x64xf32, #tpu.memory_space<hbm>> -> memref<80x64xf32, #tpu.memory_space<hbm>>
    tpu.enqueue_dma source(%dma_start3A_9 : memref<80x64xf32, #tpu.memory_space<hbm>>) target(%arg7 : memref<80x64xf32, #tpu.memory_space<vmem>>) target_semaphore(%arg10 : memref<!tpu.dma_semaphore, #tpu.memory_space<semaphore_mem>>)
    %scan3A = arith.constant 0 : i32
    %scan3A_10 = arith.constant 62 : i32
    %scan3A_11 = arith.addi %scan3A, %scan3A_10 : i32
    %scan3A_12 = arith.constant 1 : i32
    scf.for %scan3A_22 = %scan3A to %scan3A_11 step %scan3A_12  : i32 {
      %mul3A_23 = arith.constant 1 : i32
      %mul3A_24 = arith.muli %scan3A_22, %mul3A_23 : i32
      %add3A_25 = arith.constant 0 : i32
      %add3A_26 = arith.addi %add3A_25, %mul3A_24 : i32
      %mul3A_27 = arith.constant 2 : i32
      %mul3A_28 = arith.muli %mul3A_27, %add3A_26 : i32
      %add3A_29 = arith.constant 1 : i32
      %add3A_30 = arith.addi %mul3A_28, %add3A_29 : i32
      %mul3A_31 = arith.constant 10000 : i32
      %mul3A_32 = arith.muli %add3A, %mul3A_31 : i32
      %mul3A_33 = arith.constant 80 : i32
      %mul3A_34 = arith.muli %add3A_30, %mul3A_33 : i32
      %add3A_35 = arith.addi %mul3A_32, %mul3A_34 : i32
      "tpu.region"() ({
        %run_scoped3A = tpu.sem_alloc : memref<!tpu.dma_semaphore, #tpu.memory_space<semaphore_mem>>
        %dma_start3A_71 = tpu.memref_slice %arg3[%add3A_35] : memref<320000xi32, #tpu.memory_space<hbm>> -> memref<80xi32, #tpu.memory_space<hbm>>
        %dma_start3A_72 = tpu.memref_slice %arg3[%add3A_35] : memref<320000xi32, #tpu.memory_space<hbm>> -> memref<80xi32, #tpu.memory_space<hbm>>
        tpu.enqueue_dma source(%dma_start3A_72 : memref<80xi32, #tpu.memory_space<hbm>>) target(%arg8 : memref<80xi32, #tpu.memory_space<vmem>>) target_semaphore(%run_scoped3A : memref<!tpu.dma_semaphore, #tpu.memory_space<semaphore_mem>>)
        %dma_wait3A_73 = tpu.memref_slice %arg3[%add3A_35] : memref<320000xi32, #tpu.memory_space<hbm>> -> memref<80xi32, #tpu.memory_space<hbm>>
        %dma_wait3A_74 = tpu.memref_slice %arg3[%add3A_35] : memref<320000xi32, #tpu.memory_space<hbm>> -> memref<80xi32, #tpu.memory_space<hbm>>
        tpu.wait_dma2 semaphore(%run_scoped3A : memref<!tpu.dma_semaphore, #tpu.memory_space<semaphore_mem>>) src(%dma_wait3A_74 : memref<80xi32, #tpu.memory_space<hbm>>) dst(%arg8 : memref<80xi32, #tpu.memory_space<vmem>>)
        tpu.yield
      }) : () -> ()
      %dma_start3A_36 = arith.constant 0 : i32
      %dma_start3A_37 = tpu.memref_slice %arg2[%add3A_35, %dma_start3A_36] : memref<320000x64xf32, #tpu.memory_space<hbm>> -> memref<80x64xf32, #tpu.memory_space<hbm>>
      %dma_start3A_38 = arith.constant 0 : i32
      %dma_start3A_39 = tpu.memref_slice %arg2[%add3A_35, %dma_start3A_38] : memref<320000x64xf32, #tpu.memory_space<hbm>> -> memref<80x64xf32, #tpu.memory_space<hbm>>
      tpu.enqueue_dma source(%dma_start3A_39 : memref<80x64xf32, #tpu.memory_space<hbm>>) target(%arg9 : memref<80x64xf32, #tpu.memory_space<vmem>>) target_semaphore(%arg11 : memref<!tpu.dma_semaphore, #tpu.memory_space<semaphore_mem>>)
      %mul3A_40 = arith.constant 10000 : i32
      %mul3A_41 = arith.muli %add3A, %mul3A_40 : i32
      %mul3A_42 = arith.constant 80 : i32
      %mul3A_43 = arith.muli %mul3A_28, %mul3A_42 : i32
      %add3A_44 = arith.addi %mul3A_41, %mul3A_43 : i32
      %dma_wait3A_45 = arith.constant 0 : i32
      %dma_wait3A_46 = tpu.memref_slice %arg2[%add3A_44, %dma_wait3A_45] : memref<320000x64xf32, #tpu.memory_space<hbm>> -> memref<80x64xf32, #tpu.memory_space<hbm>>
      %dma_wait3A_47 = arith.constant 0 : i32
      %dma_wait3A_48 = tpu.memref_slice %arg2[%add3A_44, %dma_wait3A_47] : memref<320000x64xf32, #tpu.memory_space<hbm>> -> memref<80x64xf32, #tpu.memory_space<hbm>>
      tpu.wait_dma2 semaphore(%arg10 : memref<!tpu.dma_semaphore, #tpu.memory_space<semaphore_mem>>) src(%dma_wait3A_48 : memref<80x64xf32, #tpu.memory_space<hbm>>) dst(%arg7 : memref<80x64xf32, #tpu.memory_space<vmem>>)
      "tpu.region"() ({
        %run_scoped3A = tpu.sem_alloc : memref<!tpu.dma_semaphore, #tpu.memory_space<semaphore_mem>>
        %dma_start3A_71 = arith.constant 0 : i32
        %dma_start3A_72 = arith.constant 0 : i32
        %dma_start3A_73 = tpu.memref_slice %arg12[%dma_start3A_71, %dma_start3A_72] : memref<10000x64xf32, #tpu.memory_space<vmem_shared>> -> memref<10000x64xf32, #tpu.memory_space<vmem_shared>>
        tpu.enqueue_indirect_dma source(%arg7 : memref<80x64xf32, #tpu.memory_space<vmem>>) target(%dma_start3A_73 : memref<10000x64xf32, #tpu.memory_space<vmem_shared>>) offsets(%arg6 : memref<80xi32, #tpu.memory_space<vmem>>) semaphore(%run_scoped3A : memref<!tpu.dma_semaphore, #tpu.memory_space<semaphore_mem>>) {add = true}
        %dma_wait3A_74 = arith.constant 0 : i32
        %dma_wait3A_75 = arith.constant 0 : i32
        %dma_wait3A_76 = tpu.memref_slice %arg12[%dma_wait3A_74, %dma_wait3A_75] : memref<10000x64xf32, #tpu.memory_space<vmem_shared>> -> memref<10000x64xf32, #tpu.memory_space<vmem_shared>>
        tpu.wait_indirect_dma semaphore(%run_scoped3A : memref<!tpu.dma_semaphore, #tpu.memory_space<semaphore_mem>>) src(%arg7 : memref<80x64xf32, #tpu.memory_space<vmem>>) dst(%dma_wait3A_76 : memref<10000x64xf32, #tpu.memory_space<vmem_shared>>)
        tpu.yield
      }) : () -> ()
      %add3A_49 = arith.constant 2 : i32
      %add3A_50 = arith.addi %mul3A_28, %add3A_49 : i32
      %mul3A_51 = arith.constant 10000 : i32
      %mul3A_52 = arith.muli %add3A, %mul3A_51 : i32
      %mul3A_53 = arith.constant 80 : i32
      %mul3A_54 = arith.muli %add3A_50, %mul3A_53 : i32
      %add3A_55 = arith.addi %mul3A_52, %mul3A_54 : i32
      "tpu.region"() ({
        %run_scoped3A = tpu.sem_alloc : memref<!tpu.dma_semaphore, #tpu.memory_space<semaphore_mem>>
        %dma_start3A_71 = tpu.memref_slice %arg3[%add3A_55] : memref<320000xi32, #tpu.memory_space<hbm>> -> memref<80xi32, #tpu.memory_space<hbm>>
        %dma_start3A_72 = tpu.memref_slice %arg3[%add3A_55] : memref<320000xi32, #tpu.memory_space<hbm>> -> memref<80xi32, #tpu.memory_space<hbm>>
        tpu.enqueue_dma source(%dma_start3A_72 : memref<80xi32, #tpu.memory_space<hbm>>) target(%arg6 : memref<80xi32, #tpu.memory_space<vmem>>) target_semaphore(%run_scoped3A : memref<!tpu.dma_semaphore, #tpu.memory_space<semaphore_mem>>)
        %dma_wait3A_73 = tpu.memref_slice %arg3[%add3A_55] : memref<320000xi32, #tpu.memory_space<hbm>> -> memref<80xi32, #tpu.memory_space<hbm>>
        %dma_wait3A_74 = tpu.memref_slice %arg3[%add3A_55] : memref<320000xi32, #tpu.memory_space<hbm>> -> memref<80xi32, #tpu.memory_space<hbm>>
        tpu.wait_dma2 semaphore(%run_scoped3A : memref<!tpu.dma_semaphore, #tpu.memory_space<semaphore_mem>>) src(%dma_wait3A_74 : memref<80xi32, #tpu.memory_space<hbm>>) dst(%arg6 : memref<80xi32, #tpu.memory_space<vmem>>)
        tpu.yield
      }) : () -> ()
      %dma_start3A_56 = arith.constant 0 : i32
      %dma_start3A_57 = tpu.memref_slice %arg2[%add3A_55, %dma_start3A_56] : memref<320000x64xf32, #tpu.memory_space<hbm>> -> memref<80x64xf32, #tpu.memory_space<hbm>>
      %dma_start3A_58 = arith.constant 0 : i32
      %dma_start3A_59 = tpu.memref_slice %arg2[%add3A_55, %dma_start3A_58] : memref<320000x64xf32, #tpu.memory_space<hbm>> -> memref<80x64xf32, #tpu.memory_space<hbm>>
      tpu.enqueue_dma source(%dma_start3A_59 : memref<80x64xf32, #tpu.memory_space<hbm>>) target(%arg7 : memref<80x64xf32, #tpu.memory_space<vmem>>) target_semaphore(%arg10 : memref<!tpu.dma_semaphore, #tpu.memory_space<semaphore_mem>>)
      %add3A_60 = arith.constant 1 : i32
      %add3A_61 = arith.addi %mul3A_28, %add3A_60 : i32
      %mul3A_62 = arith.constant 10000 : i32
      %mul3A_63 = arith.muli %add3A, %mul3A_62 : i32
      %mul3A_64 = arith.constant 80 : i32
      %mul3A_65 = arith.muli %add3A_61, %mul3A_64 : i32
      %add3A_66 = arith.addi %mul3A_63, %mul3A_65 : i32
      %dma_wait3A_67 = arith.constant 0 : i32
      %dma_wait3A_68 = tpu.memref_slice %arg2[%add3A_66, %dma_wait3A_67] : memref<320000x64xf32, #tpu.memory_space<hbm>> -> memref<80x64xf32, #tpu.memory_space<hbm>>
      %dma_wait3A_69 = arith.constant 0 : i32
      %dma_wait3A_70 = tpu.memref_slice %arg2[%add3A_66, %dma_wait3A_69] : memref<320000x64xf32, #tpu.memory_space<hbm>> -> memref<80x64xf32, #tpu.memory_space<hbm>>
      tpu.wait_dma2 semaphore(%arg11 : memref<!tpu.dma_semaphore, #tpu.memory_space<semaphore_mem>>) src(%dma_wait3A_70 : memref<80x64xf32, #tpu.memory_space<hbm>>) dst(%arg9 : memref<80x64xf32, #tpu.memory_space<vmem>>)
      "tpu.region"() ({
        %run_scoped3A = tpu.sem_alloc : memref<!tpu.dma_semaphore, #tpu.memory_space<semaphore_mem>>
        %dma_start3A_71 = arith.constant 0 : i32
        %dma_start3A_72 = arith.constant 0 : i32
        %dma_start3A_73 = tpu.memref_slice %arg12[%dma_start3A_71, %dma_start3A_72] : memref<10000x64xf32, #tpu.memory_space<vmem_shared>> -> memref<10000x64xf32, #tpu.memory_space<vmem_shared>>
        tpu.enqueue_indirect_dma source(%arg9 : memref<80x64xf32, #tpu.memory_space<vmem>>) target(%dma_start3A_73 : memref<10000x64xf32, #tpu.memory_space<vmem_shared>>) offsets(%arg8 : memref<80xi32, #tpu.memory_space<vmem>>) semaphore(%run_scoped3A : memref<!tpu.dma_semaphore, #tpu.memory_space<semaphore_mem>>) {add = true}
        %dma_wait3A_74 = arith.constant 0 : i32
        %dma_wait3A_75 = arith.constant 0 : i32
        %dma_wait3A_76 = tpu.memref_slice %arg12[%dma_wait3A_74, %dma_wait3A_75] : memref<10000x64xf32, #tpu.memory_space<vmem_shared>> -> memref<10000x64xf32, #tpu.memory_space<vmem_shared>>
        tpu.wait_indirect_dma semaphore(%run_scoped3A : memref<!tpu.dma_semaphore, #tpu.memory_space<semaphore_mem>>) src(%arg9 : memref<80x64xf32, #tpu.memory_space<vmem>>) dst(%dma_wait3A_76 : memref<10000x64xf32, #tpu.memory_space<vmem_shared>>)
        tpu.yield
      }) : () -> ()
    }
    %scan3A_13 = arith.constant 62 : i32
    %mul3A_14 = arith.constant 10000 : i32
    %mul3A_15 = arith.muli %add3A, %mul3A_14 : i32
    %add3A_16 = arith.constant 9920 : i32
    %add3A_17 = arith.addi %mul3A_15, %add3A_16 : i32
    %dma_wait3A = arith.constant 0 : i32
    %dma_wait3A_18 = tpu.memref_slice %arg2[%add3A_17, %dma_wait3A] : memref<320000x64xf32, #tpu.memory_space<hbm>> -> memref<80x64xf32, #tpu.memory_space<hbm>>
    %dma_wait3A_19 = arith.constant 0 : i32
    %dma_wait3A_20 = tpu.memref_slice %arg2[%add3A_17, %dma_wait3A_19] : memref<320000x64xf32, #tpu.memory_space<hbm>> -> memref<80x64xf32, #tpu.memory_space<hbm>>
    tpu.wait_dma2 semaphore(%arg10 : memref<!tpu.dma_semaphore, #tpu.memory_space<semaphore_mem>>) src(%dma_wait3A_20 : memref<80x64xf32, #tpu.memory_space<hbm>>) dst(%arg7 : memref<80x64xf32, #tpu.memory_space<vmem>>)
    "tpu.region"() ({
      %run_scoped3A = tpu.sem_alloc : memref<!tpu.dma_semaphore, #tpu.memory_space<semaphore_mem>>
      %dma_start3A_22 = arith.constant 0 : i32
      %dma_start3A_23 = arith.constant 0 : i32
      %dma_start3A_24 = tpu.memref_slice %arg12[%dma_start3A_22, %dma_start3A_23] : memref<10000x64xf32, #tpu.memory_space<vmem_shared>> -> memref<10000x64xf32, #tpu.memory_space<vmem_shared>>
      tpu.enqueue_indirect_dma source(%arg7 : memref<80x64xf32, #tpu.memory_space<vmem>>) target(%dma_start3A_24 : memref<10000x64xf32, #tpu.memory_space<vmem_shared>>) offsets(%arg6 : memref<80xi32, #tpu.memory_space<vmem>>) semaphore(%run_scoped3A : memref<!tpu.dma_semaphore, #tpu.memory_space<semaphore_mem>>) {add = true}
      %dma_wait3A_25 = arith.constant 0 : i32
      %dma_wait3A_26 = arith.constant 0 : i32
      %dma_wait3A_27 = tpu.memref_slice %arg12[%dma_wait3A_25, %dma_wait3A_26] : memref<10000x64xf32, #tpu.memory_space<vmem_shared>> -> memref<10000x64xf32, #tpu.memory_space<vmem_shared>>
      tpu.wait_indirect_dma semaphore(%run_scoped3A : memref<!tpu.dma_semaphore, #tpu.memory_space<semaphore_mem>>) src(%arg7 : memref<80x64xf32, #tpu.memory_space<vmem>>) dst(%dma_wait3A_27 : memref<10000x64xf32, #tpu.memory_space<vmem_shared>>)
      tpu.yield
    }) : () -> ()
    %barrier3A_21 = arith.constant 0 : index
    tpu.barrier barrier_id(%barrier3A_21)
    "tpu.region"() ({
      %run_scoped3A = tpu.sem_alloc : memref<!tpu.dma_semaphore, #tpu.memory_space<semaphore_mem>>
      %dma_start3A_22 = arith.constant 0 : i32
      %dma_start3A_23 = tpu.memref_slice %arg5[%arg0, %mul3A_2, %dma_start3A_22] : memref<2x10000x64xf32, #tpu.memory_space<hbm>> -> memref<1x625x64xf32, #tpu.memory_space<hbm>>
      %dma_start3A_24 = tpu.memref_squeeze %dma_start3A_23 : memref<1x625x64xf32, #tpu.memory_space<hbm>> -> memref<625x64xf32, #tpu.memory_space<hbm>>
      %dma_start3A_25 = arith.constant 0 : i32
      %dma_start3A_26 = tpu.memref_slice %arg12[%mul3A_2, %dma_start3A_25] : memref<10000x64xf32, #tpu.memory_space<vmem_shared>> -> memref<625x64xf32, #tpu.memory_space<vmem_shared>>
      tpu.enqueue_dma source(%dma_start3A_26 : memref<625x64xf32, #tpu.memory_space<vmem_shared>>) target(%dma_start3A_24 : memref<625x64xf32, #tpu.memory_space<hbm>>) target_semaphore(%run_scoped3A : memref<!tpu.dma_semaphore, #tpu.memory_space<semaphore_mem>>)
      %dma_wait3A_27 = arith.constant 0 : i32
      %dma_wait3A_28 = tpu.memref_slice %arg5[%arg0, %mul3A_2, %dma_wait3A_27] : memref<2x10000x64xf32, #tpu.memory_space<hbm>> -> memref<1x625x64xf32, #tpu.memory_space<hbm>>
      %dma_wait3A_29 = tpu.memref_squeeze %dma_wait3A_28 : memref<1x625x64xf32, #tpu.memory_space<hbm>> -> memref<625x64xf32, #tpu.memory_space<hbm>>
      %dma_wait3A_30 = arith.constant 0 : i32
      %dma_wait3A_31 = tpu.memref_slice %arg12[%mul3A_2, %dma_wait3A_30] : memref<10000x64xf32, #tpu.memory_space<vmem_shared>> -> memref<625x64xf32, #tpu.memory_space<vmem_shared>>
      tpu.wait_dma2 semaphore(%run_scoped3A : memref<!tpu.dma_semaphore, #tpu.memory_space<semaphore_mem>>) src(%dma_wait3A_31 : memref<625x64xf32, #tpu.memory_space<vmem_shared>>) dst(%dma_wait3A_29 : memref<625x64xf32, #tpu.memory_space<hbm>>)
      tpu.yield
    }) : () -> ()
    return
  }
}

module attributes {stable_mosaic.version = 14 : i64} {
  func.func @_tc_edge_body(%arg0: i32, %arg1: memref<2000x16xf32, #tpu.memory_space<vmem>>, %arg2: memref<2000x16xf32, #tpu.memory_space<vmem>>, %arg3: memref<2000x12xf32, #tpu.memory_space<vmem>>, %arg4: memref<16x64xf32, #tpu.memory_space<vmem>>, %arg5: memref<1x64xf32, #tpu.memory_space<vmem>>, %arg6: memref<64x32xf32, #tpu.memory_space<vmem>>, %arg7: memref<1x32xf32, #tpu.memory_space<vmem>>, %arg8: memref<16x32xf32, #tpu.memory_space<vmem>>, %arg9: memref<16x64xf32, #tpu.memory_space<vmem>>, %arg10: memref<1x64xf32, #tpu.memory_space<vmem>>, %arg11: memref<64x32xf32, #tpu.memory_space<vmem>>, %arg12: memref<1x32xf32, #tpu.memory_space<vmem>>, %arg13: memref<16x32xf32, #tpu.memory_space<vmem>>, %arg14: memref<16x32xf32, #tpu.memory_space<vmem>>, %arg15: memref<16x64xf32, #tpu.memory_space<vmem>>, %arg16: memref<1x64xf32, #tpu.memory_space<vmem>>, %arg17: memref<64x128xf32, #tpu.memory_space<vmem>>, %arg18: memref<1x128xf32, #tpu.memory_space<vmem>>, %arg19: memref<2000x64xf32, #tpu.memory_space<vmem>>, %arg20: memref<2000x128xf32, #tpu.memory_space<vmem>>) attributes {dimension_semantics = [#tpu.dimension_semantics<arbitrary>], iteration_bounds = array<i64: 160>, scalar_prefetch = 0 : i64, scratch_operands = 0 : i64, tpu.core_type = #tpu.core_type<tc>, window_params = [{transform_indices = @transform_0, window_bounds = array<i64: 2000, 16>}, {transform_indices = @transform_1, window_bounds = array<i64: 2000, 16>}, {transform_indices = @transform_2, window_bounds = array<i64: 2000, 12>}, {pipeline_mode = #tpu.pipeline_mode<synchronous>, transform_indices = @transform_3, window_bounds = array<i64: 16, 64>}, {pipeline_mode = #tpu.pipeline_mode<synchronous>, transform_indices = @transform_4, window_bounds = array<i64: 1, 64>}, {pipeline_mode = #tpu.pipeline_mode<synchronous>, transform_indices = @transform_5, window_bounds = array<i64: 64, 32>}, {pipeline_mode = #tpu.pipeline_mode<synchronous>, transform_indices = @transform_6, window_bounds = array<i64: 1, 32>}, {pipeline_mode = #tpu.pipeline_mode<synchronous>, transform_indices = @transform_7, window_bounds = array<i64: 16, 32>}, {pipeline_mode = #tpu.pipeline_mode<synchronous>, transform_indices = @transform_8, window_bounds = array<i64: 16, 64>}, {pipeline_mode = #tpu.pipeline_mode<synchronous>, transform_indices = @transform_9, window_bounds = array<i64: 1, 64>}, {pipeline_mode = #tpu.pipeline_mode<synchronous>, transform_indices = @transform_10, window_bounds = array<i64: 64, 32>}, {pipeline_mode = #tpu.pipeline_mode<synchronous>, transform_indices = @transform_11, window_bounds = array<i64: 1, 32>}, {pipeline_mode = #tpu.pipeline_mode<synchronous>, transform_indices = @transform_12, window_bounds = array<i64: 16, 32>}, {pipeline_mode = #tpu.pipeline_mode<synchronous>, transform_indices = @transform_13, window_bounds = array<i64: 16, 32>}, {pipeline_mode = #tpu.pipeline_mode<synchronous>, transform_indices = @transform_14, window_bounds = array<i64: 16, 64>}, {pipeline_mode = #tpu.pipeline_mode<synchronous>, transform_indices = @transform_15, window_bounds = array<i64: 1, 64>}, {pipeline_mode = #tpu.pipeline_mode<synchronous>, transform_indices = @transform_16, window_bounds = array<i64: 64, 128>}, {pipeline_mode = #tpu.pipeline_mode<synchronous>, transform_indices = @transform_17, window_bounds = array<i64: 1, 128>}, {transform_indices = @transform_18, window_bounds = array<i64: 2000, 64>}, {transform_indices = @transform_19, window_bounds = array<i64: 2000, 128>}]} {
    %get3A = arith.constant 0 : index
    %get3A_0 = arith.constant 0 : index
    %get3A_1 = vector.load %arg1[%get3A, %get3A_0] : memref<2000x16xf32, #tpu.memory_space<vmem>>, vector<2000x16xf32>
    %get3A_2 = arith.constant 0 : index
    %get3A_3 = arith.constant 0 : index
    %get3A_4 = vector.load %arg2[%get3A_2, %get3A_3] : memref<2000x16xf32, #tpu.memory_space<vmem>>, vector<2000x16xf32>
    %sub3A = arith.subf %get3A_4, %get3A_1 : vector<2000x16xf32>
    %slice3A = vector.extract_strided_slice %sub3A {offsets = [0, 0], sizes = [2000, 3], strides = [1, 1]} : vector<2000x16xf32> to vector<2000x3xf32>
    %mul3A = arith.mulf %slice3A, %slice3A : vector<2000x3xf32>
    %reduce_sum3A = arith.constant dense<0.000000e+00> : vector<2000xf32>
    %reduce_sum3A_5 = vector.multi_reduction <add>, %mul3A, %reduce_sum3A [1] : vector<2000x3xf32> to vector<2000xf32>
    %broadcast_in_dim3A = vector.shape_cast %reduce_sum3A_5 : vector<2000xf32> to vector<2000x1xf32>
    %add3A = arith.constant 9.99999993E-9 : f32
    %add3A_6 = vector.broadcast %add3A : f32 to vector<2000x1xf32>
    %add3A_7 = arith.addf %broadcast_in_dim3A, %add3A_6 : vector<2000x1xf32>
    %sqrt3A = math.sqrt %add3A_7 : vector<2000x1xf32>
    %get3A_8 = arith.constant 0 : index
    %get3A_9 = arith.constant 0 : index
    %get3A_10 = vector.load %arg3[%get3A_8, %get3A_9] : memref<2000x12xf32, #tpu.memory_space<vmem>>, vector<2000x12xf32>
    %broadcast_in_dim3A_11 = arith.constant 0.000000e+00 : f32
    %broadcast_in_dim3A_12 = vector.broadcast %broadcast_in_dim3A_11 : f32 to vector<2000x3xf32>
    %concatenate3A = tpu.concatenate %sqrt3A, %get3A_10, %broadcast_in_dim3A_12 in 1 : vector<2000x1xf32>, vector<2000x12xf32>, vector<2000x3xf32> -> vector<2000x16xf32>
    %get3A_13 = arith.constant 0 : index
    %get3A_14 = arith.constant 0 : index
    %get3A_15 = vector.load %arg4[%get3A_13, %get3A_14] : memref<16x64xf32, #tpu.memory_space<vmem>>, vector<16x64xf32>
    %dot_general3A = arith.constant dense<0.000000e+00> : vector<2000x64xf32>
    %dot_general3A_16 = tpu.matmul %concatenate3A, %get3A_15, %dot_general3A {dimension_numbers = #tpu.dot_dimension_numbers<[1], [0], [0], [1], [0, 0, 1, 1], [], []>, transpose_lhs_hint = false} : vector<2000x16xf32>, vector<16x64xf32>, vector<2000x64xf32> -> vector<2000x64xf32>
    %get3A_17 = arith.constant 0 : index
    %get3A_18 = arith.constant 0 : index
    %get3A_19 = vector.load %arg5[%get3A_17, %get3A_18] : memref<1x64xf32, #tpu.memory_space<vmem>>, vector<1x64xf32>
    %add3A_20 = vector.broadcast %get3A_19 : vector<1x64xf32> to vector<2000x64xf32>
    %add3A_21 = arith.addf %dot_general3A_16, %add3A_20 : vector<2000x64xf32>
    %max3A = arith.constant 0.000000e+00 : f32
    %max3A_22 = vector.broadcast %max3A : f32 to vector<2000x64xf32>
    %max3A_23 = arith.maximumf %add3A_21, %max3A_22 : vector<2000x64xf32>
    %get3A_24 = arith.constant 0 : index
    %get3A_25 = arith.constant 0 : index
    %get3A_26 = vector.load %arg6[%get3A_24, %get3A_25] : memref<64x32xf32, #tpu.memory_space<vmem>>, vector<64x32xf32>
    %dot_general3A_27 = arith.constant dense<0.000000e+00> : vector<2000x32xf32>
    %dot_general3A_28 = tpu.matmul %max3A_23, %get3A_26, %dot_general3A_27 {dimension_numbers = #tpu.dot_dimension_numbers<[1], [0], [0], [1], [0, 0, 1, 1], [], []>, transpose_lhs_hint = false} : vector<2000x64xf32>, vector<64x32xf32>, vector<2000x32xf32> -> vector<2000x32xf32>
    %get3A_29 = arith.constant 0 : index
    %get3A_30 = arith.constant 0 : index
    %get3A_31 = vector.load %arg7[%get3A_29, %get3A_30] : memref<1x32xf32, #tpu.memory_space<vmem>>, vector<1x32xf32>
    %add3A_32 = vector.broadcast %get3A_31 : vector<1x32xf32> to vector<2000x32xf32>
    %add3A_33 = arith.addf %dot_general3A_28, %add3A_32 : vector<2000x32xf32>
    %get3A_34 = arith.constant 0 : index
    %get3A_35 = arith.constant 0 : index
    %get3A_36 = vector.load %arg8[%get3A_34, %get3A_35] : memref<16x32xf32, #tpu.memory_space<vmem>>, vector<16x32xf32>
    %dot_general3A_37 = arith.constant dense<0.000000e+00> : vector<2000x32xf32>
    %dot_general3A_38 = tpu.matmul %get3A_1, %get3A_36, %dot_general3A_37 {dimension_numbers = #tpu.dot_dimension_numbers<[1], [0], [0], [1], [0, 0, 1, 1], [], []>, transpose_lhs_hint = false} : vector<2000x16xf32>, vector<16x32xf32>, vector<2000x32xf32> -> vector<2000x32xf32>
    %get3A_39 = arith.constant 0 : index
    %get3A_40 = arith.constant 0 : index
    %get3A_41 = vector.load %arg14[%get3A_39, %get3A_40] : memref<16x32xf32, #tpu.memory_space<vmem>>, vector<16x32xf32>
    %dot_general3A_42 = arith.constant dense<0.000000e+00> : vector<2000x32xf32>
    %dot_general3A_43 = tpu.matmul %get3A_4, %get3A_41, %dot_general3A_42 {dimension_numbers = #tpu.dot_dimension_numbers<[1], [0], [0], [1], [0, 0, 1, 1], [], []>, transpose_lhs_hint = false} : vector<2000x16xf32>, vector<16x32xf32>, vector<2000x32xf32> -> vector<2000x32xf32>
    %mul3A_44 = arith.mulf %add3A_33, %dot_general3A_38 : vector<2000x32xf32>
    %mul3A_45 = arith.mulf %mul3A_44, %dot_general3A_43 : vector<2000x32xf32>
    %reduce_sum3A_46 = arith.constant dense<0.000000e+00> : vector<2000xf32>
    %reduce_sum3A_47 = vector.multi_reduction <add>, %mul3A_45, %reduce_sum3A_46 [1] : vector<2000x32xf32> to vector<2000xf32>
    %broadcast_in_dim3A_48 = vector.shape_cast %reduce_sum3A_47 : vector<2000xf32> to vector<2000x1xf32>
    %mul3A_49 = arith.constant 0.176776692 : f32
    %mul3A_50 = vector.broadcast %mul3A_49 : f32 to vector<2000x1xf32>
    %mul3A_51 = arith.mulf %broadcast_in_dim3A_48, %mul3A_50 : vector<2000x1xf32>
    %exp3A = math.exp %mul3A_51 : vector<2000x1xf32>
    %get3A_52 = arith.constant 0 : index
    %get3A_53 = arith.constant 0 : index
    %get3A_54 = vector.load %arg9[%get3A_52, %get3A_53] : memref<16x64xf32, #tpu.memory_space<vmem>>, vector<16x64xf32>
    %dot_general3A_55 = arith.constant dense<0.000000e+00> : vector<2000x64xf32>
    %dot_general3A_56 = tpu.matmul %concatenate3A, %get3A_54, %dot_general3A_55 {dimension_numbers = #tpu.dot_dimension_numbers<[1], [0], [0], [1], [0, 0, 1, 1], [], []>, transpose_lhs_hint = false} : vector<2000x16xf32>, vector<16x64xf32>, vector<2000x64xf32> -> vector<2000x64xf32>
    %get3A_57 = arith.constant 0 : index
    %get3A_58 = arith.constant 0 : index
    %get3A_59 = vector.load %arg10[%get3A_57, %get3A_58] : memref<1x64xf32, #tpu.memory_space<vmem>>, vector<1x64xf32>
    %add3A_60 = vector.broadcast %get3A_59 : vector<1x64xf32> to vector<2000x64xf32>
    %add3A_61 = arith.addf %dot_general3A_56, %add3A_60 : vector<2000x64xf32>
    %max3A_62 = arith.constant 0.000000e+00 : f32
    %max3A_63 = vector.broadcast %max3A_62 : f32 to vector<2000x64xf32>
    %max3A_64 = arith.maximumf %add3A_61, %max3A_63 : vector<2000x64xf32>
    %get3A_65 = arith.constant 0 : index
    %get3A_66 = arith.constant 0 : index
    %get3A_67 = vector.load %arg11[%get3A_65, %get3A_66] : memref<64x32xf32, #tpu.memory_space<vmem>>, vector<64x32xf32>
    %dot_general3A_68 = arith.constant dense<0.000000e+00> : vector<2000x32xf32>
    %dot_general3A_69 = tpu.matmul %max3A_64, %get3A_67, %dot_general3A_68 {dimension_numbers = #tpu.dot_dimension_numbers<[1], [0], [0], [1], [0, 0, 1, 1], [], []>, transpose_lhs_hint = false} : vector<2000x64xf32>, vector<64x32xf32>, vector<2000x32xf32> -> vector<2000x32xf32>
    %get3A_70 = arith.constant 0 : index
    %get3A_71 = arith.constant 0 : index
    %get3A_72 = vector.load %arg12[%get3A_70, %get3A_71] : memref<1x32xf32, #tpu.memory_space<vmem>>, vector<1x32xf32>
    %add3A_73 = vector.broadcast %get3A_72 : vector<1x32xf32> to vector<2000x32xf32>
    %add3A_74 = arith.addf %dot_general3A_69, %add3A_73 : vector<2000x32xf32>
    %get3A_75 = arith.constant 0 : index
    %get3A_76 = arith.constant 0 : index
    %get3A_77 = vector.load %arg13[%get3A_75, %get3A_76] : memref<16x32xf32, #tpu.memory_space<vmem>>, vector<16x32xf32>
    %dot_general3A_78 = arith.constant dense<0.000000e+00> : vector<2000x32xf32>
    %dot_general3A_79 = tpu.matmul %get3A_1, %get3A_77, %dot_general3A_78 {dimension_numbers = #tpu.dot_dimension_numbers<[1], [0], [0], [1], [0, 0, 1, 1], [], []>, transpose_lhs_hint = false} : vector<2000x16xf32>, vector<16x32xf32>, vector<2000x32xf32> -> vector<2000x32xf32>
    %mul3A_80 = arith.mulf %add3A_74, %dot_general3A_79 : vector<2000x32xf32>
    %mul3A_81 = vector.broadcast %exp3A : vector<2000x1xf32> to vector<2000x32xf32>
    %mul3A_82 = arith.mulf %mul3A_81, %mul3A_80 : vector<2000x32xf32>
    %broadcast_in_dim3A_83 = arith.constant 0.000000e+00 : f32
    %broadcast_in_dim3A_84 = vector.broadcast %broadcast_in_dim3A_83 : f32 to vector<2000x31xf32>
    %concatenate3A_85 = tpu.concatenate %mul3A_82, %exp3A, %broadcast_in_dim3A_84 in 1 : vector<2000x32xf32>, vector<2000x1xf32>, vector<2000x31xf32> -> vector<2000x64xf32>
    %swap3A = arith.constant 0 : index
    %swap3A_86 = arith.constant 0 : index
    %swap3A_87 = vector.load %arg19[%swap3A, %swap3A_86] : memref<2000x64xf32, #tpu.memory_space<vmem>>, vector<2000x64xf32>
    tpu.vector_store %arg19[%swap3A, %swap3A_86], %concatenate3A_85 {strides = array<i32>} : memref<2000x64xf32, #tpu.memory_space<vmem>>, vector<2000x64xf32>,
    %get3A_88 = arith.constant 0 : index
    %get3A_89 = arith.constant 0 : index
    %get3A_90 = vector.load %arg15[%get3A_88, %get3A_89] : memref<16x64xf32, #tpu.memory_space<vmem>>, vector<16x64xf32>
    %dot_general3A_91 = arith.constant dense<0.000000e+00> : vector<2000x64xf32>
    %dot_general3A_92 = tpu.matmul %concatenate3A, %get3A_90, %dot_general3A_91 {dimension_numbers = #tpu.dot_dimension_numbers<[1], [0], [0], [1], [0, 0, 1, 1], [], []>, transpose_lhs_hint = false} : vector<2000x16xf32>, vector<16x64xf32>, vector<2000x64xf32> -> vector<2000x64xf32>
    %get3A_93 = arith.constant 0 : index
    %get3A_94 = arith.constant 0 : index
    %get3A_95 = vector.load %arg16[%get3A_93, %get3A_94] : memref<1x64xf32, #tpu.memory_space<vmem>>, vector<1x64xf32>
    %add3A_96 = vector.broadcast %get3A_95 : vector<1x64xf32> to vector<2000x64xf32>
    %add3A_97 = arith.addf %dot_general3A_92, %add3A_96 : vector<2000x64xf32>
    %max3A_98 = arith.constant 0.000000e+00 : f32
    %max3A_99 = vector.broadcast %max3A_98 : f32 to vector<2000x64xf32>
    %max3A_100 = arith.maximumf %add3A_97, %max3A_99 : vector<2000x64xf32>
    %get3A_101 = arith.constant 0 : index
    %get3A_102 = arith.constant 0 : index
    %get3A_103 = vector.load %arg17[%get3A_101, %get3A_102] : memref<64x128xf32, #tpu.memory_space<vmem>>, vector<64x128xf32>
    %dot_general3A_104 = arith.constant dense<0.000000e+00> : vector<2000x128xf32>
    %dot_general3A_105 = tpu.matmul %max3A_100, %get3A_103, %dot_general3A_104 {dimension_numbers = #tpu.dot_dimension_numbers<[1], [0], [0], [1], [0, 0, 1, 1], [], []>, transpose_lhs_hint = false} : vector<2000x64xf32>, vector<64x128xf32>, vector<2000x128xf32> -> vector<2000x128xf32>
    %get3A_106 = arith.constant 0 : index
    %get3A_107 = arith.constant 0 : index
    %get3A_108 = vector.load %arg18[%get3A_106, %get3A_107] : memref<1x128xf32, #tpu.memory_space<vmem>>, vector<1x128xf32>
    %add3A_109 = vector.broadcast %get3A_108 : vector<1x128xf32> to vector<2000x128xf32>
    %add3A_110 = arith.addf %dot_general3A_105, %add3A_109 : vector<2000x128xf32>
    %swap3A_111 = arith.constant 0 : index
    %swap3A_112 = arith.constant 0 : index
    %swap3A_113 = vector.load %arg20[%swap3A_111, %swap3A_112] : memref<2000x128xf32, #tpu.memory_space<vmem>>, vector<2000x128xf32>
    tpu.vector_store %arg20[%swap3A_111, %swap3A_112], %add3A_110 {strides = array<i32>} : memref<2000x128xf32, #tpu.memory_space<vmem>>, vector<2000x128xf32>,
    return
  }
  func.func @transform_0(%arg0: i32) -> (i32, i32) {
    %c0_i32 = arith.constant 0 : i32
    %c0_i32_0 = arith.constant 0 : i32
    return %arg0, %c0_i32 : i32, i32
  }
  func.func @transform_1(%arg0: i32) -> (i32, i32) {
    %c0_i32 = arith.constant 0 : i32
    %c0_i32_0 = arith.constant 0 : i32
    return %arg0, %c0_i32 : i32, i32
  }
  func.func @transform_2(%arg0: i32) -> (i32, i32) {
    %c0_i32 = arith.constant 0 : i32
    %c0_i32_0 = arith.constant 0 : i32
    return %arg0, %c0_i32 : i32, i32
  }
  func.func @transform_3(%arg0: i32) -> (i32, i32) {
    %c0_i32 = arith.constant 0 : i32
    %c0_i32_0 = arith.constant 0 : i32
    %c0_i32_1 = arith.constant 0 : i32
    return %c0_i32, %c0_i32_0 : i32, i32
  }
  func.func @transform_4(%arg0: i32) -> (i32, i32) {
    %c0_i32 = arith.constant 0 : i32
    %c0_i32_0 = arith.constant 0 : i32
    %c0_i32_1 = arith.constant 0 : i32
    return %c0_i32, %c0_i32_0 : i32, i32
  }
  func.func @transform_5(%arg0: i32) -> (i32, i32) {
    %c0_i32 = arith.constant 0 : i32
    %c0_i32_0 = arith.constant 0 : i32
    %c0_i32_1 = arith.constant 0 : i32
    return %c0_i32, %c0_i32_0 : i32, i32
  }
  func.func @transform_6(%arg0: i32) -> (i32, i32) {
    %c0_i32 = arith.constant 0 : i32
    %c0_i32_0 = arith.constant 0 : i32
    %c0_i32_1 = arith.constant 0 : i32
    return %c0_i32, %c0_i32_0 : i32, i32
  }
  func.func @transform_7(%arg0: i32) -> (i32, i32) {
    %c0_i32 = arith.constant 0 : i32
    %c0_i32_0 = arith.constant 0 : i32
    %c0_i32_1 = arith.constant 0 : i32
    return %c0_i32, %c0_i32_0 : i32, i32
  }
  func.func @transform_8(%arg0: i32) -> (i32, i32) {
    %c0_i32 = arith.constant 0 : i32
    %c0_i32_0 = arith.constant 0 : i32
    %c0_i32_1 = arith.constant 0 : i32
    return %c0_i32, %c0_i32_0 : i32, i32
  }
  func.func @transform_9(%arg0: i32) -> (i32, i32) {
    %c0_i32 = arith.constant 0 : i32
    %c0_i32_0 = arith.constant 0 : i32
    %c0_i32_1 = arith.constant 0 : i32
    return %c0_i32, %c0_i32_0 : i32, i32
  }
  func.func @transform_10(%arg0: i32) -> (i32, i32) {
    %c0_i32 = arith.constant 0 : i32
    %c0_i32_0 = arith.constant 0 : i32
    %c0_i32_1 = arith.constant 0 : i32
    return %c0_i32, %c0_i32_0 : i32, i32
  }
  func.func @transform_11(%arg0: i32) -> (i32, i32) {
    %c0_i32 = arith.constant 0 : i32
    %c0_i32_0 = arith.constant 0 : i32
    %c0_i32_1 = arith.constant 0 : i32
    return %c0_i32, %c0_i32_0 : i32, i32
  }
  func.func @transform_12(%arg0: i32) -> (i32, i32) {
    %c0_i32 = arith.constant 0 : i32
    %c0_i32_0 = arith.constant 0 : i32
    %c0_i32_1 = arith.constant 0 : i32
    return %c0_i32, %c0_i32_0 : i32, i32
  }
  func.func @transform_13(%arg0: i32) -> (i32, i32) {
    %c0_i32 = arith.constant 0 : i32
    %c0_i32_0 = arith.constant 0 : i32
    %c0_i32_1 = arith.constant 0 : i32
    return %c0_i32, %c0_i32_0 : i32, i32
  }
  func.func @transform_14(%arg0: i32) -> (i32, i32) {
    %c0_i32 = arith.constant 0 : i32
    %c0_i32_0 = arith.constant 0 : i32
    %c0_i32_1 = arith.constant 0 : i32
    return %c0_i32, %c0_i32_0 : i32, i32
  }
  func.func @transform_15(%arg0: i32) -> (i32, i32) {
    %c0_i32 = arith.constant 0 : i32
    %c0_i32_0 = arith.constant 0 : i32
    %c0_i32_1 = arith.constant 0 : i32
    return %c0_i32, %c0_i32_0 : i32, i32
  }
  func.func @transform_16(%arg0: i32) -> (i32, i32) {
    %c0_i32 = arith.constant 0 : i32
    %c0_i32_0 = arith.constant 0 : i32
    %c0_i32_1 = arith.constant 0 : i32
    return %c0_i32, %c0_i32_0 : i32, i32
  }
  func.func @transform_17(%arg0: i32) -> (i32, i32) {
    %c0_i32 = arith.constant 0 : i32
    %c0_i32_0 = arith.constant 0 : i32
    %c0_i32_1 = arith.constant 0 : i32
    return %c0_i32, %c0_i32_0 : i32, i32
  }
  func.func @transform_18(%arg0: i32) -> (i32, i32) {
    %c0_i32 = arith.constant 0 : i32
    %c0_i32_0 = arith.constant 0 : i32
    return %arg0, %c0_i32 : i32, i32
  }
  func.func @transform_19(%arg0: i32) -> (i32, i32) {
    %c0_i32 = arith.constant 0 : i32
    %c0_i32_0 = arith.constant 0 : i32
    return %arg0, %c0_i32 : i32, i32
  }
}

module attributes {stable_mosaic.version = 14 : i64} {
  func.func @_tc_node_body(%arg0: i32, %arg1: memref<2x2000x64xf32, #tpu.memory_space<vmem>>, %arg2: memref<2000x6xf32, #tpu.memory_space<vmem>>, %arg3: memref<6x32xf32, #tpu.memory_space<vmem>>, %arg4: memref<32x32xf32, #tpu.memory_space<vmem>>, %arg5: memref<1x32xf32, #tpu.memory_space<vmem>>, %arg6: memref<32x32xf32, #tpu.memory_space<vmem>>, %arg7: memref<1x32xf32, #tpu.memory_space<vmem>>, %arg8: memref<32x128xf32, #tpu.memory_space<vmem>>, %arg9: memref<32x128xf32, #tpu.memory_space<vmem>>, %arg10: memref<64x32xf32, #tpu.memory_space<vmem>>, %arg11: memref<64x1xf32, #tpu.memory_space<vmem>>, %arg12: memref<2000x128xf32, #tpu.memory_space<vmem>>, %arg13: memref<2000x128xf32, #tpu.memory_space<vmem>>) attributes {dimension_semantics = [#tpu.dimension_semantics<arbitrary>], iteration_bounds = array<i64: 5>, scalar_prefetch = 0 : i64, scratch_operands = 0 : i64, tpu.core_type = #tpu.core_type<tc>, window_params = [{transform_indices = @transform_0, window_bounds = array<i64: 2, 2000, 64>}, {transform_indices = @transform_1, window_bounds = array<i64: 2000, 6>}, {pipeline_mode = #tpu.pipeline_mode<synchronous>, transform_indices = @transform_2, window_bounds = array<i64: 6, 32>}, {pipeline_mode = #tpu.pipeline_mode<synchronous>, transform_indices = @transform_3, window_bounds = array<i64: 32, 32>}, {pipeline_mode = #tpu.pipeline_mode<synchronous>, transform_indices = @transform_4, window_bounds = array<i64: 1, 32>}, {pipeline_mode = #tpu.pipeline_mode<synchronous>, transform_indices = @transform_5, window_bounds = array<i64: 32, 32>}, {pipeline_mode = #tpu.pipeline_mode<synchronous>, transform_indices = @transform_6, window_bounds = array<i64: 1, 32>}, {pipeline_mode = #tpu.pipeline_mode<synchronous>, transform_indices = @transform_7, window_bounds = array<i64: 32, 128>}, {pipeline_mode = #tpu.pipeline_mode<synchronous>, transform_indices = @transform_8, window_bounds = array<i64: 32, 128>}, {pipeline_mode = #tpu.pipeline_mode<synchronous>, transform_indices = @transform_9, window_bounds = array<i64: 64, 32>}, {pipeline_mode = #tpu.pipeline_mode<synchronous>, transform_indices = @transform_10, window_bounds = array<i64: 64, 1>}, {transform_indices = @transform_11, window_bounds = array<i64: 2000, 128>}, {transform_indices = @transform_12, window_bounds = array<i64: 2000, 128>}]} {
    %get3A = arith.constant 0 : index
    %get3A_0 = arith.constant 0 : index
    %get3A_1 = arith.constant 0 : index
    %get3A_2 = vector.load %arg1[%get3A, %get3A_0, %get3A_1] : memref<2x2000x64xf32, #tpu.memory_space<vmem>>, vector<1x2000x64xf32>
    %get3A_3 = vector.shape_cast %get3A_2 : vector<1x2000x64xf32> to vector<2000x64xf32>
    %get3A_4 = arith.constant 1 : index
    %get3A_5 = arith.constant 0 : index
    %get3A_6 = arith.constant 0 : index
    %get3A_7 = vector.load %arg1[%get3A_4, %get3A_5, %get3A_6] : memref<2x2000x64xf32, #tpu.memory_space<vmem>>, vector<1x2000x64xf32>
    %get3A_8 = vector.shape_cast %get3A_7 : vector<1x2000x64xf32> to vector<2000x64xf32>
    %add3A = arith.addf %get3A_3, %get3A_8 : vector<2000x64xf32>
    %get3A_9 = arith.constant 0 : index
    %get3A_10 = arith.constant 0 : index
    %get3A_11 = vector.load %arg10[%get3A_9, %get3A_10] : memref<64x32xf32, #tpu.memory_space<vmem>>, vector<64x32xf32>
    %dot_general3A = arith.constant dense<0.000000e+00> : vector<2000x32xf32>
    %dot_general3A_12 = tpu.matmul %add3A, %get3A_11, %dot_general3A {dimension_numbers = #tpu.dot_dimension_numbers<[1], [0], [0], [1], [0, 0, 1, 1], [], []>, precision = #tpu.contract_precision<fp32>, transpose_lhs_hint = false} : vector<2000x64xf32>, vector<64x32xf32>, vector<2000x32xf32> -> vector<2000x32xf32>
    %get3A_13 = arith.constant 0 : index
    %get3A_14 = arith.constant 0 : index
    %get3A_15 = vector.load %arg11[%get3A_13, %get3A_14] : memref<64x1xf32, #tpu.memory_space<vmem>>, vector<64x1xf32>
    %dot_general3A_16 = arith.constant dense<0.000000e+00> : vector<2000x1xf32>
    %dot_general3A_17 = tpu.matmul %add3A, %get3A_15, %dot_general3A_16 {dimension_numbers = #tpu.dot_dimension_numbers<[1], [0], [0], [1], [0, 0, 1, 1], [], []>, precision = #tpu.contract_precision<fp32>, transpose_lhs_hint = false} : vector<2000x64xf32>, vector<64x1xf32>, vector<2000x1xf32> -> vector<2000x1xf32>
    %add3A_18 = arith.constant 9.99999971E-10 : f32
    %add3A_19 = vector.broadcast %add3A_18 : f32 to vector<2000x1xf32>
    %add3A_20 = arith.addf %dot_general3A_17, %add3A_19 : vector<2000x1xf32>
    %div3A = vector.broadcast %add3A_20 : vector<2000x1xf32> to vector<2000x32xf32>
    %div3A_21 = arith.divf %dot_general3A_12, %div3A : vector<2000x32xf32>
    %get3A_22 = arith.constant 0 : index
    %get3A_23 = arith.constant 0 : index
    %get3A_24 = vector.load %arg2[%get3A_22, %get3A_23] : memref<2000x6xf32, #tpu.memory_space<vmem>>, vector<2000x6xf32>
    %get3A_25 = arith.constant 0 : index
    %get3A_26 = arith.constant 0 : index
    %get3A_27 = vector.load %arg3[%get3A_25, %get3A_26] : memref<6x32xf32, #tpu.memory_space<vmem>>, vector<6x32xf32>
    %dot_general3A_28 = arith.constant dense<0.000000e+00> : vector<2000x32xf32>
    %dot_general3A_29 = tpu.matmul %get3A_24, %get3A_27, %dot_general3A_28 {dimension_numbers = #tpu.dot_dimension_numbers<[1], [0], [0], [1], [0, 0, 1, 1], [], []>, transpose_lhs_hint = false} : vector<2000x6xf32>, vector<6x32xf32>, vector<2000x32xf32> -> vector<2000x32xf32>
    %add3A_30 = arith.addf %div3A_21, %dot_general3A_29 : vector<2000x32xf32>
    %abs3A = math.absf %add3A_30 : vector<2000x32xf32>
    %add3A_31 = arith.constant 9.99999993E-9 : f32
    %add3A_32 = vector.broadcast %add3A_31 : f32 to vector<2000x32xf32>
    %add3A_33 = arith.addf %abs3A, %add3A_32 : vector<2000x32xf32>
    %div3A_34 = arith.divf %add3A_30, %add3A_33 : vector<2000x32xf32>
    %get3A_35 = arith.constant 0 : index
    %get3A_36 = arith.constant 0 : index
    %get3A_37 = vector.load %arg4[%get3A_35, %get3A_36] : memref<32x32xf32, #tpu.memory_space<vmem>>, vector<32x32xf32>
    %dot_general3A_38 = arith.constant dense<0.000000e+00> : vector<2000x32xf32>
    %dot_general3A_39 = tpu.matmul %abs3A, %get3A_37, %dot_general3A_38 {dimension_numbers = #tpu.dot_dimension_numbers<[1], [0], [0], [1], [0, 0, 1, 1], [], []>, transpose_lhs_hint = false} : vector<2000x32xf32>, vector<32x32xf32>, vector<2000x32xf32> -> vector<2000x32xf32>
    %get3A_40 = arith.constant 0 : index
    %get3A_41 = arith.constant 0 : index
    %get3A_42 = vector.load %arg5[%get3A_40, %get3A_41] : memref<1x32xf32, #tpu.memory_space<vmem>>, vector<1x32xf32>
    %add3A_43 = vector.broadcast %get3A_42 : vector<1x32xf32> to vector<2000x32xf32>
    %add3A_44 = arith.addf %dot_general3A_39, %add3A_43 : vector<2000x32xf32>
    %max3A = arith.constant 0.000000e+00 : f32
    %max3A_45 = vector.broadcast %max3A : f32 to vector<2000x32xf32>
    %max3A_46 = arith.maximumf %add3A_44, %max3A_45 : vector<2000x32xf32>
    %get3A_47 = arith.constant 0 : index
    %get3A_48 = arith.constant 0 : index
    %get3A_49 = vector.load %arg6[%get3A_47, %get3A_48] : memref<32x32xf32, #tpu.memory_space<vmem>>, vector<32x32xf32>
    %dot_general3A_50 = arith.constant dense<0.000000e+00> : vector<2000x32xf32>
    %dot_general3A_51 = tpu.matmul %max3A_46, %get3A_49, %dot_general3A_50 {dimension_numbers = #tpu.dot_dimension_numbers<[1], [0], [0], [1], [0, 0, 1, 1], [], []>, transpose_lhs_hint = false} : vector<2000x32xf32>, vector<32x32xf32>, vector<2000x32xf32> -> vector<2000x32xf32>
    %get3A_52 = arith.constant 0 : index
    %get3A_53 = arith.constant 0 : index
    %get3A_54 = vector.load %arg7[%get3A_52, %get3A_53] : memref<1x32xf32, #tpu.memory_space<vmem>>, vector<1x32xf32>
    %add3A_55 = vector.broadcast %get3A_54 : vector<1x32xf32> to vector<2000x32xf32>
    %add3A_56 = arith.addf %dot_general3A_51, %add3A_55 : vector<2000x32xf32>
    %max3A_57 = arith.constant 0.000000e+00 : f32
    %max3A_58 = vector.broadcast %max3A_57 : f32 to vector<2000x32xf32>
    %max3A_59 = arith.maximumf %add3A_56, %max3A_58 : vector<2000x32xf32>
    %mul3A = arith.mulf %max3A_59, %div3A_34 : vector<2000x32xf32>
    %get3A_60 = arith.constant 0 : index
    %get3A_61 = arith.constant 0 : index
    %get3A_62 = vector.load %arg8[%get3A_60, %get3A_61] : memref<32x128xf32, #tpu.memory_space<vmem>>, vector<32x128xf32>
    %dot_general3A_63 = arith.constant dense<0.000000e+00> : vector<2000x128xf32>
    %dot_general3A_64 = tpu.matmul %mul3A, %get3A_62, %dot_general3A_63 {dimension_numbers = #tpu.dot_dimension_numbers<[1], [0], [0], [1], [0, 0, 1, 1], [], []>, transpose_lhs_hint = false} : vector<2000x32xf32>, vector<32x128xf32>, vector<2000x128xf32> -> vector<2000x128xf32>
    %swap3A = arith.constant 0 : index
    %swap3A_65 = arith.constant 0 : index
    %swap3A_66 = vector.load %arg12[%swap3A, %swap3A_65] : memref<2000x128xf32, #tpu.memory_space<vmem>>, vector<2000x128xf32>
    tpu.vector_store %arg12[%swap3A, %swap3A_65], %dot_general3A_64 {strides = array<i32>} : memref<2000x128xf32, #tpu.memory_space<vmem>>, vector<2000x128xf32>,
    %get3A_67 = arith.constant 0 : index
    %get3A_68 = arith.constant 0 : index
    %get3A_69 = vector.load %arg9[%get3A_67, %get3A_68] : memref<32x128xf32, #tpu.memory_space<vmem>>, vector<32x128xf32>
    %dot_general3A_70 = arith.constant dense<0.000000e+00> : vector<2000x128xf32>
    %dot_general3A_71 = tpu.matmul %mul3A, %get3A_69, %dot_general3A_70 {dimension_numbers = #tpu.dot_dimension_numbers<[1], [0], [0], [1], [0, 0, 1, 1], [], []>, transpose_lhs_hint = false} : vector<2000x32xf32>, vector<32x128xf32>, vector<2000x128xf32> -> vector<2000x128xf32>
    %swap3A_72 = arith.constant 0 : index
    %swap3A_73 = arith.constant 0 : index
    %swap3A_74 = vector.load %arg13[%swap3A_72, %swap3A_73] : memref<2000x128xf32, #tpu.memory_space<vmem>>, vector<2000x128xf32>
    tpu.vector_store %arg13[%swap3A_72, %swap3A_73], %dot_general3A_71 {strides = array<i32>} : memref<2000x128xf32, #tpu.memory_space<vmem>>, vector<2000x128xf32>,
    return
  }
  func.func @transform_0(%arg0: i32) -> (i32, i32, i32) {
    %c0_i32 = arith.constant 0 : i32
    %c0_i32_0 = arith.constant 0 : i32
    %c0_i32_1 = arith.constant 0 : i32
    return %c0_i32, %arg0, %c0_i32_0 : i32, i32, i32
  }
  func.func @transform_1(%arg0: i32) -> (i32, i32) {
    %c0_i32 = arith.constant 0 : i32
    %c0_i32_0 = arith.constant 0 : i32
    return %arg0, %c0_i32 : i32, i32
  }
  func.func @transform_2(%arg0: i32) -> (i32, i32) {
    %c0_i32 = arith.constant 0 : i32
    %c0_i32_0 = arith.constant 0 : i32
    %c0_i32_1 = arith.constant 0 : i32
    return %c0_i32, %c0_i32_0 : i32, i32
  }
  func.func @transform_3(%arg0: i32) -> (i32, i32) {
    %c0_i32 = arith.constant 0 : i32
    %c0_i32_0 = arith.constant 0 : i32
    %c0_i32_1 = arith.constant 0 : i32
    return %c0_i32, %c0_i32_0 : i32, i32
  }
  func.func @transform_4(%arg0: i32) -> (i32, i32) {
    %c0_i32 = arith.constant 0 : i32
    %c0_i32_0 = arith.constant 0 : i32
    %c0_i32_1 = arith.constant 0 : i32
    return %c0_i32, %c0_i32_0 : i32, i32
  }
  func.func @transform_5(%arg0: i32) -> (i32, i32) {
    %c0_i32 = arith.constant 0 : i32
    %c0_i32_0 = arith.constant 0 : i32
    %c0_i32_1 = arith.constant 0 : i32
    return %c0_i32, %c0_i32_0 : i32, i32
  }
  func.func @transform_6(%arg0: i32) -> (i32, i32) {
    %c0_i32 = arith.constant 0 : i32
    %c0_i32_0 = arith.constant 0 : i32
    %c0_i32_1 = arith.constant 0 : i32
    return %c0_i32, %c0_i32_0 : i32, i32
  }
  func.func @transform_7(%arg0: i32) -> (i32, i32) {
    %c0_i32 = arith.constant 0 : i32
    %c0_i32_0 = arith.constant 0 : i32
    %c0_i32_1 = arith.constant 0 : i32
    return %c0_i32, %c0_i32_0 : i32, i32
  }
  func.func @transform_8(%arg0: i32) -> (i32, i32) {
    %c0_i32 = arith.constant 0 : i32
    %c0_i32_0 = arith.constant 0 : i32
    %c0_i32_1 = arith.constant 0 : i32
    return %c0_i32, %c0_i32_0 : i32, i32
  }
  func.func @transform_9(%arg0: i32) -> (i32, i32) {
    %c0_i32 = arith.constant 0 : i32
    %c0_i32_0 = arith.constant 0 : i32
    %c0_i32_1 = arith.constant 0 : i32
    return %c0_i32, %c0_i32_0 : i32, i32
  }
  func.func @transform_10(%arg0: i32) -> (i32, i32) {
    %c0_i32 = arith.constant 0 : i32
    %c0_i32_0 = arith.constant 0 : i32
    %c0_i32_1 = arith.constant 0 : i32
    return %c0_i32, %c0_i32_0 : i32, i32
  }
  func.func @transform_11(%arg0: i32) -> (i32, i32) {
    %c0_i32 = arith.constant 0 : i32
    %c0_i32_0 = arith.constant 0 : i32
    return %arg0, %c0_i32 : i32, i32
  }
  func.func @transform_12(%arg0: i32) -> (i32, i32) {
    %c0_i32 = arith.constant 0 : i32
    %c0_i32_0 = arith.constant 0 : i32
    return %arg0, %c0_i32 : i32, i32
  }
}

module attributes {stable_mosaic.version = 14 : i64} {
  func.func @_tc_merge_body(%arg0: i32, %arg1: memref<2x2000x128xf32, #tpu.memory_space<vmem>>, %arg2: memref<2000x128xf32, #tpu.memory_space<vmem>>, %arg3: memref<2000x128xf32, #tpu.memory_space<vmem>>) attributes {dimension_semantics = [#tpu.dimension_semantics<arbitrary>], iteration_bounds = array<i64: 5>, scalar_prefetch = 0 : i64, scratch_operands = 0 : i64, tpu.core_type = #tpu.core_type<tc>, window_params = [{transform_indices = @transform_0, window_bounds = array<i64: 2, 2000, 128>}, {transform_indices = @transform_1, window_bounds = array<i64: 2000, 128>}, {transform_indices = @transform_2, window_bounds = array<i64: 2000, 128>}]} {
    %get3A = arith.constant 0 : index
    %get3A_0 = arith.constant 0 : index
    %get3A_1 = arith.constant 0 : index
    %get3A_2 = vector.load %arg1[%get3A, %get3A_0, %get3A_1] : memref<2x2000x128xf32, #tpu.memory_space<vmem>>, vector<1x2000x128xf32>
    %get3A_3 = vector.shape_cast %get3A_2 : vector<1x2000x128xf32> to vector<2000x128xf32>
    %get3A_4 = arith.constant 1 : index
    %get3A_5 = arith.constant 0 : index
    %get3A_6 = arith.constant 0 : index
    %get3A_7 = vector.load %arg1[%get3A_4, %get3A_5, %get3A_6] : memref<2x2000x128xf32, #tpu.memory_space<vmem>>, vector<1x2000x128xf32>
    %get3A_8 = vector.shape_cast %get3A_7 : vector<1x2000x128xf32> to vector<2000x128xf32>
    %add3A = arith.addf %get3A_3, %get3A_8 : vector<2000x128xf32>
    %get3A_9 = arith.constant 0 : index
    %get3A_10 = arith.constant 0 : index
    %get3A_11 = vector.load %arg2[%get3A_9, %get3A_10] : memref<2000x128xf32, #tpu.memory_space<vmem>>, vector<2000x128xf32>
    %add3A_12 = arith.addf %add3A, %get3A_11 : vector<2000x128xf32>
    %swap3A = arith.constant 0 : index
    %swap3A_13 = arith.constant 0 : index
    %swap3A_14 = vector.load %arg3[%swap3A, %swap3A_13] : memref<2000x128xf32, #tpu.memory_space<vmem>>, vector<2000x128xf32>
    tpu.vector_store %arg3[%swap3A, %swap3A_13], %add3A_12 {strides = array<i32>} : memref<2000x128xf32, #tpu.memory_space<vmem>>, vector<2000x128xf32>,
    return
  }
  func.func @transform_0(%arg0: i32) -> (i32, i32, i32) {
    %c0_i32 = arith.constant 0 : i32
    %c0_i32_0 = arith.constant 0 : i32
    %c0_i32_1 = arith.constant 0 : i32
    return %c0_i32, %arg0, %c0_i32_0 : i32, i32, i32
  }
  func.func @transform_1(%arg0: i32) -> (i32, i32) {
    %c0_i32 = arith.constant 0 : i32
    %c0_i32_0 = arith.constant 0 : i32
    return %arg0, %c0_i32 : i32, i32
  }
  func.func @transform_2(%arg0: i32) -> (i32, i32) {
    %c0_i32 = arith.constant 0 : i32
    %c0_i32_0 = arith.constant 0 : i32
    return %arg0, %c0_i32 : i32, i32
  }
}

</mosaic_0001>

<sc_bundles>
// kernel: kernel.11.cloned.1.call-start
scs
__scs_entry_jumppad:
0x0: {  	(pc) =	sbr.rel $0x88, $3  }
0x1: {  	(tag) =	ssettag $0x0;
	lr =	simm.s32 $0x1  }
0x2: {  	[smem:$0x3F87] =	sst lr;
	_ =	strace $0xD0000000  }
0x3: {  	_ = 	snop  }
0x4: {  	_ = 	snop  }
0x5: {  	_ = 	snop  }
0x6: {  	_ = 	snop  }
0x7: {  	_ = 	snop  }
__scs_overlays_trampoline_lowered:
0x8: {  	[smem:$0x3F96] =	sst s0  }
0x9: {  	[smem:$0x3F97] =	sst s1  }
0xa: {  	[smem:$0x3F98] =	sst s2  }
0xb: {  	[smem:$0x3F99] =	sst s3  }
0xc: {  	[smem:$0x3F9A] =	sst s4  }
0xd: {  	[smem:$0x3F9B] =	sst s5  }
0xe: {  	[smem:$0x3F9C] =	sst s6  }
0xf: {  	[smem:$0x3F9D] =	sst s7  }
0x10: {  	[smem:$0x3F9E] =	sst s8  }
0x11: {  	[smem:$0x3F9F] =	sst s9;
	s0 =	simm.s32 @!p0 $0x0  }
0x12: {  	s1 =	sld [smem:$0x3F85];
	s0 =	simm.s32 @p0 $0x1  }
0x13: {  	[smem:$0x3FA0] =	sst s0;
	s0 =	simm.s32 @!p1 $0x0  }
0x14: {  	s2 =	sld [smem:$0x3F84];
	s0 =	simm.s32 @p1 $0x1  }
0x15: {  	[smem:$0x3FA1] =	sst s0;
	s0 =	simm.s32 @!p2 $0x0  }
0x16: {  	s3 =	sld [smem:$0x3FDB];
	s0 =	simm.s32 @p2 $0x1  }
0x17: {  	s4 =	simm.s32 $0x1BF5;
	[smem:$0x3FA3] =	sst s0  }
0x18: {  	s0 =	sld [smem:$0x3F86];
	_ =	swait.ge [sflag:s4], $0x0  }
0x19: {  	s7 =	sld [smem:$0x3F87]  }
0x1a: {  	s8 =	sadd.s32 $0xFFFFE003, lr  }
0x1b: {  	s9 =	sadd.s32 $0xFFFFFEF7, lr;
	s5 =	simm.s32 $0xFFFFFFFF;
	p2 =	slt.u32 s8, $0xFFFFF086  }
0x1c: {  	p1 =	slt.u32 s9, $0xF7A;
	s5 =	simm.s32 @!p2 $0x0  }
0x1d: {  	s5 =	simm.s32 @p1 $0x1;
	p0 =	seq.s32 s7, s2  }
0x1e: {  	s7 =	smul.u32 @!p0 $0xF7A, s2;
	p2 =	seq.s32 @!p0 s5, $0x0  }
0x1f: {  	s9 =	smul.u32 $0xF7A, s1;
	s8 =	simm.s32 @!p0 $0x1BF5;
	p2 =	por !p2, p0  }
0x20: {  	[sflag:s8] =	ssyncset.s32 @!p0 $0xFFFFF086;
	s6 =	sadd.s32 @!p0 s3, s7;
	s7 =	simm.s32 @!p0 $0x108  }
0x21: {  	s3 =	sadd.s32 s3, s9;
	s6 =	sadd.s32 @!p0 $0x88, s6;
	s7 =	simm.s32 @p2 $0x1082  }
0x22: {  	[simem:s7], [sflag:s8] =	dma.local @!p0 [hbm:s6], $0xF7A  }
0x23: {  	s9 =	sor.u32 $0xD0000000, s2;
	s6 =	simm.s32 $0x108;
	_ =	swait.ge @!p0 [sflag:s8], $0x0  }
0x24: {  	s3 =	sadd.s32 $0x88, s3;
	s6 =	simm.s32 @!p1 $0x1082;
	[sflag:s4] =	ssyncset.s32 $0xFFFFF086  }
0x25: {  	[simem:s6], [sflag:s4] =	dma.local [hbm:s3], $0xF7A  }
0x26: {  	[smem:$0x3F87] =	sst s1;
	(tag) =	ssettag s2;
	_ =	strace s9  }
0x27: {  	s1 =	sld [smem:$0x3F97]  }
0x28: {  	s2 =	sld [smem:$0x3F98]  }
0x29: {  	s4 =	sld [smem:$0x3F9A]  }
0x2a: {  	p0 =	seq.s32 s5, $0x0;
	s5 =	sld [smem:$0x3F9B]  }
0x2b: {  	s6 =	sld [smem:$0x3F9C]  }
0x2c: {  	s7 =	sld [smem:$0x3F9D]  }
0x2d: {  	s3 =	simm.s32 $0x108;
	s8 =	sld [smem:$0x3F9E]  }
0x2e: {  	s3 =	simm.s32 @!p0 $0x1082;
	s9 =	sld [smem:$0x3F9F]  }
0x2f: {  	lr =	sadd.s32 s0, s3;
	s0 =	sld [smem:$0x3F96]  }
0x30: {  	s3 =	sld [smem:$0x3F99]  }
0x31: {  	[smem:$0x3FA2] =	sst s10  }
0x32: {  	s10 =	sld [smem:$0x3FA0];
	_ =	sdelay $0x3  }
0x33: {  	p0 =	seq.s32 s10, $0x1;
	s10 =	sld [smem:$0x3FA2];
	_ =	sdelay $0x3  }
0x34: {  	[smem:$0x3FA2] =	sst s10  }
0x35: {  	s10 =	sld [smem:$0x3FA1];
	_ =	sdelay $0x3  }
0x36: {  	p1 =	seq.s32 s10, $0x1;
	s10 =	sld [smem:$0x3FA2];
	_ =	sdelay $0x3  }
0x37: {  	[smem:$0x3FA2] =	sst s10  }
0x38: {  	s10 =	sld [smem:$0x3FA3]  }
0x39: {  	_ = 	snop;
	(pc) =	sbr.ind lr, $3  }
0x3a: {  	_ = 	snop  }
0x3b: {  	_ = 	snop  }
0x3c: {  	p2 =	seq.s32 s10, $0x1;
	s10 =	sld [smem:$0x3FA2]  }
0x3d: {  	_ =	shalt  }
0x3e: {  	_ =	shalt  }
0x3f: {  	_ =	shalt  }
0x40: {  	_ =	shalt  }
0x41: {  	_ =	shalt  }
0x42: {  	_ =	shalt  }
0x43: {  	_ =	shalt  }
0x44: {  	_ =	shalt  }
0x45: {  	_ =	shalt  }
0x46: {  	_ =	shalt  }
0x47: {  	_ =	shalt  }
0x48: {  	_ =	shalt  }
0x49: {  	_ =	shalt  }
0x4a: {  	_ =	shalt  }
0x4b: {  	_ =	shalt  }
0x4c: {  	_ =	shalt  }
0x4d: {  	_ =	shalt  }
0x4e: {  	_ =	shalt  }
0x4f: {  	_ =	shalt  }
0x50: {  	_ =	shalt  }
0x51: {  	_ =	shalt  }
0x52: {  	_ =	shalt  }
0x53: {  	_ =	shalt  }
0x54: {  	_ =	shalt  }
0x55: {  	_ =	shalt  }
0x56: {  	_ =	shalt  }
0x57: {  	_ =	shalt  }
0x58: {  	_ =	shalt  }
0x59: {  	_ =	shalt  }
0x5a: {  	_ =	shalt  }
0x5b: {  	_ =	shalt  }
0x5c: {  	_ =	shalt  }
0x5d: {  	_ =	shalt  }
0x5e: {  	_ =	shalt  }
0x5f: {  	_ =	shalt  }
0x60: {  	_ =	shalt  }
0x61: {  	_ =	shalt  }
0x62: {  	_ =	shalt  }
0x63: {  	_ =	shalt  }
0x64: {  	_ =	shalt  }
0x65: {  	_ =	shalt  }
0x66: {  	_ =	shalt  }
0x67: {  	_ =	shalt  }
0x68: {  	_ =	shalt  }
0x69: {  	_ =	shalt  }
0x6a: {  	_ =	shalt  }
0x6b: {  	_ =	shalt  }
0x6c: {  	_ =	shalt  }
0x6d: {  	_ =	shalt  }
0x6e: {  	_ =	shalt  }
0x6f: {  	_ =	shalt  }
0x70: {  	_ =	shalt  }
0x71: {  	_ =	shalt  }
0x72: {  	_ =	shalt  }
0x73: {  	_ =	shalt  }
0x74: {  	_ =	shalt  }
0x75: {  	_ =	shalt  }
0x76: {  	_ =	shalt  }
0x77: {  	_ =	shalt  }
0x78: {  	_ =	shalt  }
0x79: {  	_ =	shalt  }
0x7a: {  	_ =	shalt  }
0x7b: {  	_ =	shalt  }
0x7c: {  	_ =	shalt  }
0x7d: {  	_ =	shalt  }
0x7e: {  	_ =	shalt  }
0x7f: {  	_ =	shalt  }
0x80: {  	_ =	shalt  }
0x81: {  	_ =	shalt  }
0x82: {  	_ =	shalt  }
0x83: {  	_ =	shalt  }
0x84: {  	_ =	shalt  }
0x85: {  	_ =	shalt  }
0x86: {  	_ =	shalt  }
0x87: {  	_ =	shalt  }
.Lfunc_end0:
.L_simem_size_0:
called_computation.1_lowered:
.L_overlay_start_0:
0x88: {  	s2 =	sld [smem:$0x3FD9]  }
0x89: {  	s3 =	sld [smem:$0x3FFE];
	_ =	sdelay $0x1  }
0x8a: {  	s1 =	srdreg.scid  }
0x8b: {  	s0 =	sand.u32 $0x1, s1  }
0x8c: {  	s14 =	sshll.u32 s0, $0xA;
	s2 =	sadd.s32 s3, s2  }
0x8d: {  	s2 =	sadd.s32 s2, s14  }
0x8e: {  	[smem:$0x3FAE] =	sst s2  }
0x8f: {  	_ = 	snop  }
0x90: {  	s2 =	sld [smem:$0x3FD0];
	_ =	sdelay $0x2  }
0x91: {  	s15 =	simm.s32 $0xA;
	s4 =	simm.s32 $0x10  }
0x92: {  	[smem:s4], [sflag:s15] =	dma.local [hbm:s2], $0x1  }
0x93: {  	_ =	swait.eq [sflag:s15], $0x1  }
0x94: {  	[sflag:s15] =	ssyncset.done $0x0  }
0x95: {  	[sflag:s15] =	ssyncadd.s32 $0xFFFFFFFF  }
0x96: {  	s16 =	sld [smem:$0x10];
	(tm) =	ssettm $0x1  }
0x97: {  	s17 =	sld [smem:$0x3FFB];
	_ =	sdelay $0x3  }
0x98: {  	_ =	strace s17  }
0x99: {  	s3 =	sld [smem:$0x3FFC];
	_ =	sdelay $0x3  }
0x9a: {  	_ =	strace s3  }
0x9b: {  	s3 =	sld [smem:$0x3FFD];
	_ =	sdelay $0x3  }
0x9c: {  	_ =	strace s3  }
0x9d: {  	_ =	strace $0x8FFFFFFF  }
0x9e: {  	s18 =	sld [smem:$0x3FDB];
	_ =	sdelay $0x1  }
0x9f: {  	s19 =	simm.s32 $_scs_section_size  }
0xa0: {  	s5 =	simm.s32 $_size__tile_overlayer_lowered;
	s6 =	simm.s32 $_tile_overlayer_lowered  }
0xa1: {  	s22 =	simm.s32 $0x1BFF;
	s21 =	sshll.u32 s6, $0x1;
	s3 =	sadd.s32 s19, s18  }
0xa2: {  	s7 =	simm.s32 $0x0;
	s20 =	sshll.u32 s5, $0x1;
	s5 =	sadd.s32 s21, s3  }
0xa3: {  	[timem:s7], [sflag:s22] =	dma.local [hbm:s5], s20  }
0xa4: {  	_ =	swait.ge [sflag:s22], s20  }
0xa5: {  	s4 =	ssub.s32 $0x0, s20;
	[sflag:s22] =	ssyncset.done $0x0  }
0xa6: {  	[sflag:s22] =	ssyncadd.s32 s4;
	_ =	sdelay $0x1  }
0xa7: {  	s23 =	simm.s32 $0x1B8B  }
0xa8: {  	_ =	swait.ge [sflag:s23], $0x1  }
0xa9: {  	[sflag:s23] =	ssyncset.done $0x0  }
0xaa: {  	s25 =	simm.s32 $0x1B8E;
	s24 =	sld [smem:$0x3FFE];
	[sflag:s23] =	ssyncadd.s32 $0xFFFFFFFF  }
0xab: {  	s26 =	simm.s32 $execute0_lowered;
	[smem:$0x3FD2] =	sst s25  }
0xac: {  	s5 =	sshll.u32 s26, $0x1;
	_ =	strace $0x80000049;
	[dreg:$0x1] =	wrdreg $0xFFFFFFFF  }
0xad: {  	s28 =	simm.s32 $_size_execute0_lowered;
	s3 =	sadd.s32 s3, s5;
	[dreg:$0x0] =	wrdreg $0x0  }
0xae: {  	s5 =	sshll.u32 s28, $0x1;
	[dreg:$0x2] =	wrdreg s3  }
0xaf: {  	[dreg:$0x3] =	wrdreg s5  }
0xb0: {  	[dreg:$0x4] =	wrdreg $0xC0  }
0xb1: {  	_ =	task [dreg:s7], $0x5FFFF  }
0xb2: {  	[dreg:$0x1] =	wrdreg $0xFFFFFFFF  }
0xb3: {  	[dreg:$0x0] =	wrdreg $0x60  }
0xb4: {  	[dreg:$0x2] =	wrdreg s24  }
0xb5: {  	[dreg:$0x3] =	wrdreg s16  }
0xb6: {  	[dreg:$0x4] =	wrdreg $0x28A00  }
0xb7: {  	[dreg:$0x5] =	wrdreg $0x9  }
0xb8: {  	_ =	task.clear_ibuf [dreg:s7], $0x6FFFF;
	_ =	strace $0x90000049  }
0xb9: {  	s29 =	simm.s32 $0x9;
	_ =	strace $0x8000004B  }
0xba: {  	_ =	swait.ge [sflag:s29], $0x1  }
0xbb: {  	[sflag:s29] =	ssyncadd.s32 $0xFFFFFFFF  }
0xbc: {  	_ =	strace $0x9000004B  }
0xbd: {  	_ =	sfence  }
0xbe: {  	s30 =	sld [smem:$0x0];
	_ =	sdelay $0x2  }
0xbf: {  	s31 =	sshll.u32 s1, $0xD;
	s1 =	sshrl.u32 s1, $0x2  }
0xc0: {  	s3 =	sand.u32 $0x4000, s31;
	s1 =	sadd.s32 s1, s30  }
0xc1: {  	s0 =	sor.u32 s3, s0;
	s1 =	sshll.u32 s1, $0x11  }
0xc2: {  	s0 =	sor.u32 s1, s0  }
0xc3: {  	s0 =	sadd.s32 $0x8F2B, s0  }
0xc4: {  	[sflag:s0] =	ssyncadd.remote.s32 $0x1  }
0xc5: {  	_ =	sfence.sel $0xFFFF  }
0xc6: {  	[dreg:$0x0] =	wrdreg $0xFFFFFFFF;
	(pc) =	sbr.abs _section_cstart, $3  }
0xc7: {  	[dreg:$0x1] =	wrdreg $0xFFFFFFFF  }
0xc8: {  	_ =	task.clear_ibuf [dreg:s7], $0x2FFFF;
	_ =	strace $0x9FFFFFFF  }
0xc9: {  	(tm) =	ssettm $0x7FFFFFFF  }
tec
execute0_lowered:
.L_overlay_start_1:
0x0: {  	(tag) =	ssettag $0x1  }
0x1: {  	s5 =	rddreg [dreg:$0x0]  }
0x2: {  	s9 =	rddreg [dreg:$0x1]  }
0x3: {  	s2 =	rddreg [dreg:$0x2]  }
0x4: {  	s0 =	rddreg [dreg:$0x3];
	s3 =	simm.s32 $0x0  }
0x5: {  	s1 =	stileid.u32;
	s4 =	srdreg.scid;
	s18 =	simm.s32 $0x1450  }
0x6: {  	s19 =	simm.s32 $0x14A0;
	s20 =	simm.s32 $0x1;
	s21 =	simm.s32 $0x2  }
0x7: {  	s22 =	simm.s32 $0x0;
	[smem:$0x7FF] =	sst s3;
	s6 =	sand.u32 $0x1, s4  }
0x8: {  	s23 =	sshll.u32 s1, $0x1;
	s13 =	sadd.s32 $0x18600, s5;
	s8 =	smul.u32 $0x9C40, s1  }
0x9: {  	s4 =	sadd.s32 $0x4A00, s5;
	s26 =	smul.u32 $0x4E20, s1;
	s28 =	sshll.u32 s1, $0x6  }
0xa: {  	_ =	strace $0x8000004A;
	s7 =	sor.u32 s6, s23;
	s25 =	smul.u32 $0x9C400, s6  }
0xb: {  	s10 =	ssub.s32 $0x2, s6;
	s17 =	smul.u32 $0x2710, s6;
	s6 =	sor.u32 $0x1C03, s28  }
0xc: {  	s11 =	smul.u32 $0x2710, s7;
	s12 =	sshrl.u32 s8, $0x3;
	s14 =	sshrl.u32 s10, $0x1  }
0xd: {  	s15 =	smul.u32 $0x13880, s7;
	s16 =	sadd.s32 s8, s2;
	s5 =	sadd.s32 s12, s5  }
0xe: {  	s24 =	ssub.s32 s10, s14;
	s10 =	sadd.s32 s8, s25;
	s29 =	sadd.s32 s17, s26  }
0xf: {  	s17 =	simm.s32 $0x50;
	s5 =	sadd.s32 $0x289600, s5;
	s11 =	sshrl.u32 s11, $0x3  }
0x10: {  	s8 =	sadd.s32 s13, s15;
	s10 =	sshrl.u32 s10, $0x3;
	s14 =	sadd.s32 $0x50, s29  }
0x11: {  	s15 =	sshrl.u32 s16, $0x3;
	s16 =	simm.s32 $0x3;
	s7 =	sadd.s32 s4, s11  }
0x12: {  	s9 =	sadd.s32 s9, s10;
	s10 =	sadd.s32 $0xA0, s29;
	s11 =	smax.u32 s24, $0x1  }
0x13: {  	s31 =	sshll.u32 s14, $0x3;
	s14 =	sshrl.u32 s14, $0x3;
	s30 =	sshll.u32 s10, $0x3  }
0x14: {  	s14 =	sadd.s32 s14, s4;
	s12 =	sadd.s32 s30, s13;
	s13 =	sadd.s32 s31, s13  }
.LBB2_1:
0x15: {  	[spmem:s15], [sflag:s6] =	dma.local [hbm:s5], $0x1388  }
0x16: {  	_ =	swait.ge [sflag:s16], $0x1388  }
0x17: {  	[sflag:s16] =	ssyncset.done $0x0  }
0x18: {  	[sflag:s16] =	ssyncadd.s32 $0xFFFFEC78  }
0x19: {  	[bflag:$0x0] =	sbarrier.arrive $0xFFFF  }
0x1a: {  	[tilespmem:s3], [sflag:$0x3] =	stream.linear.gather [hbm4b:s7+s3], $0x50, $0x38;
	[tilespmem:$0xC4E0] =	vst v63  }
0x1b: {  	_ =	swait.ge [sflag:s16], $0x50  }
0x1c: {  	[sflag:s16] =	ssyncset.done $0x0  }
0x1d: {  	[sflag:s16] =	ssyncadd.s32 $0xFFFFFFB0  }
0x1e: {  	[tilespmem:s17], [sflag:$0x1] =	stream.linear.gather [hbm4b:s8+s3], $0x1400, $0x38;
	[tilespmem:$0xC4E0] =	vst v63  }
0x1f: {  	_ = 	snop  }
0x20: {  	[tilespmem:s18], [sflag:$0x3] =	stream.linear.gather [hbm4b:s14+s3], $0x50, $0x38;
	[tilespmem:$0xC4E0] =	vst v63  }
0x21: {  	_ =	swait.ge [sflag:s16], $0x50  }
0x22: {  	[sflag:s16] =	ssyncset.done $0x0  }
0x23: {  	s23 =	sadd.s32 $0x0, s13;
	[sflag:s16] =	ssyncadd.s32 $0xFFFFFFB0  }
0x24: {  	[tilespmem:s19], [sflag:$0x2] =	stream.linear.gather [hbm4b:s23+s3], $0x1400, $0x38;
	[tilespmem:$0xC4E0] =	vst v63  }
0x25: {  	_ =	swait.ge [sflag:s20], $0x1400  }
0x26: {  	[sflag:s20] =	ssyncset.done $0x0  }
0x27: {  	[sflag:s20] =	ssyncadd.s32 $0xFFFFEC00  }
0x28: {  	[spmem:s2] =	stream.indirect.scatter.add.f32 [tilespmem:s17], [sflag:$0x3], $0x40, s3, s17, $0xb8;
	[tilespmem:$0xC4E0] =	vst v63  }
0x29: {  	_ =	swait.ge [sflag:s16], $0x1400  }
0x2a: {  	s30 =	sshrl.u32 s10, $0x3;
	[sflag:s16] =	ssyncset.done $0x0  }
0x2b: {  	s23 =	sadd.s32 s4, s30;
	[sflag:s16] =	ssyncadd.s32 $0xFFFFEC00  }
0x2c: {  	[tilespmem:s3], [sflag:$0x3] =	stream.linear.gather [hbm4b:s23+s3], $0x50, $0x38;
	[tilespmem:$0xC4E0] =	vst v63  }
0x2d: {  	_ =	swait.ge [sflag:s16], $0x50  }
0x2e: {  	[sflag:s16] =	ssyncset.done $0x0  }
0x2f: {  	s31 =	sadd.s32 $0x0, s12;
	[sflag:s16] =	ssyncadd.s32 $0xFFFFFFB0  }
0x30: {  	[tilespmem:s17], [sflag:$0x1] =	stream.linear.gather [hbm4b:s31+s3], $0x1400, $0x38;
	[tilespmem:$0xC4E0] =	vst v63  }
0x31: {  	_ =	swait.ge [sflag:s21], $0x1400  }
0x32: {  	[sflag:s21] =	ssyncset.done $0x0  }
0x33: {  	[sflag:s21] =	ssyncadd.s32 $0xFFFFEC00  }
0x34: {  	[spmem:s2] =	stream.indirect.scatter.add.f32 [tilespmem:s19], [sflag:$0x3], $0x40, s18, s17, $0xb8;
	[tilespmem:$0xC4E0] =	vst v63  }
0x35: {  	s24 =	smov.u32 s10;
	_ =	swait.ge [sflag:s16], $0x1400  }
0x36: {  	s25 =	smov.u32 s14;
	s23 =	simm.s32 $0x500;
	[sflag:s16] =	ssyncset.done $0x0  }
.LBB2_2:
0x37: {  	[sflag:s16] =	ssyncadd.s32 $0xFFFFEC00  }
0x38: {  	s24 =	sadd.s32 $0xA0, s24;
	s25 =	sadd.s32 $0x14, s25;
	s26 =	smov.u32 s23  }
0x39: {  	[tilespmem:s18], [sflag:$0x3] =	stream.linear.gather [hbm4b:s25+s3], $0x50, $0x38;
	[tilespmem:$0xC4E0] =	vst v63  }
0x3a: {  	p0 =	sne.s32 s23, $0x13100;
	s23 =	sadd.s32 $0x500, s23;
	_ =	swait.ge [sflag:s16], $0x50  }
0x3b: {  	[sflag:s16] =	ssyncset.done $0x0  }
0x3c: {  	s28 =	sadd.s32 s26, s13;
	[sflag:s16] =	ssyncadd.s32 $0xFFFFFFB0  }
0x3d: {  	[tilespmem:s19], [sflag:$0x2] =	stream.linear.gather [hbm4b:s28+s3], $0x1400, $0x38;
	[tilespmem:$0xC4E0] =	vst v63  }
0x3e: {  	_ =	swait.ge [sflag:s20], $0x1400  }
0x3f: {  	[sflag:s20] =	ssyncset.done $0x0  }
0x40: {  	[sflag:s20] =	ssyncadd.s32 $0xFFFFEC00  }
0x41: {  	[spmem:s2] =	stream.indirect.scatter.add.f32 [tilespmem:s17], [sflag:$0x3], $0x40, s3, s17, $0xb8;
	[tilespmem:$0xC4E0] =	vst v63  }
0x42: {  	_ =	swait.ge [sflag:s16], $0x1400  }
0x43: {  	s28 =	sshrl.u32 s24, $0x3;
	[sflag:s16] =	ssyncset.done $0x0  }
0x44: {  	s28 =	sadd.s32 s4, s28;
	[sflag:s16] =	ssyncadd.s32 $0xFFFFEC00  }
0x45: {  	[tilespmem:s3], [sflag:$0x3] =	stream.linear.gather [hbm4b:s28+s3], $0x50, $0x38;
	[tilespmem:$0xC4E0] =	vst v63  }
0x46: {  	_ =	swait.ge [sflag:s16], $0x50  }
0x47: {  	[sflag:s16] =	ssyncset.done $0x0  }
0x48: {  	s26 =	sadd.s32 s26, s12;
	[sflag:s16] =	ssyncadd.s32 $0xFFFFFFB0  }
0x49: {  	[tilespmem:s17], [sflag:$0x1] =	stream.linear.gather [hbm4b:s26+s3], $0x1400, $0x38;
	[tilespmem:$0xC4E0] =	vst v63  }
0x4a: {  	_ =	swait.ge [sflag:s21], $0x1400  }
.Ltmp0:
0x4b: {  	[sflag:s21] =	ssyncset.done $0x0;
	(pc) =	sbr.rel @p0 .LBB2_2-.Ltmp0, $4  }
0x4c: {  	[sflag:s21] =	ssyncadd.s32 $0xFFFFEC00  }
0x4d: {  	[spmem:s2] =	stream.indirect.scatter.add.f32 [tilespmem:s19], [sflag:$0x3], $0x40, s18, s17, $0xb8;
	[tilespmem:$0xC4E0] =	vst v63  }
0x4e: {  	_ =	swait.ge [sflag:s16], $0x1400  }
0x4f: {  	[sflag:s16] =	ssyncset.done $0x0  }
0x50: {  	[sflag:s16] =	ssyncadd.s32 $0xFFFFEC00  }
0x51: {  	_ =	swait.ge [sflag:s20], $0x1400  }
0x52: {  	[sflag:s20] =	ssyncset.done $0x0  }
0x53: {  	[sflag:s20] =	ssyncadd.s32 $0xFFFFEC00  }
0x54: {  	[spmem:s2] =	stream.indirect.scatter.add.f32 [tilespmem:s17], [sflag:$0x3], $0x40, s3, s17, $0xb8;
	[tilespmem:$0xC4E0] =	vst v63  }
0x55: {  	_ =	swait.ge [sflag:s16], $0x1400  }
0x56: {  	s22 =	sadd.s32 $0x1, s22;
	[sflag:s16] =	ssyncset.done $0x0  }
0x57: {  	p0 =	sne.s32 s22, s11;
	[sflag:s16] =	ssyncadd.s32 $0xFFFFEC00  }
.Ltmp1:
0x58: {  	[bflag:$0x0] =	sbarrier.arrive $0xFFFF;
	(pc) =	sbr.rel @p0 .LBB2_1-.Ltmp1, $4  }
0x59: {  	[hbm:s9], [sflag:s6] =	dma.local [spmem:s15], $0x1388  }
0x5a: {  	_ =	swait.ge [sflag:s16], $0x1388  }
0x5b: {  	[sflag:s16] =	ssyncset.done $0x0  }
0x5c: {  	[sflag:s16] =	ssyncadd.s32 $0xFFFFEC78  }
0x5d: {  	_ =	sfence.sel $0x180000  }
0x5e: {  	[bflag:$0x0] =	sbarrier.arrive $0xFFFF  }
0x5f: {  	p0 =	sne.s32 s1, $0x0;
	_ =	strace $0x9000004A  }
0x60: {  	s0 =	sadd.s32 @!p0 $0x100000, s0;
	[bflag:$0x2] =	sbarrier.arrive $0xFFFF  }
0x61: {  	[sflag:s0] =	ssyncadd.tile.s32 @!p0 $0x1;
	_ =	shalt  }
.Lfunc_end2:
_tile_overlayer_lowered:
.L_overlay_start_2:
0x62: {  	(tag) =	ssettag $0x2  }
0x63: {  	s0 =	rddreg [dreg:$0x0];
	s2 =	stileid.u32  }
0x64: {  	s1 =	rddreg [dreg:$0x1];
	p0 =	sne.s32 s2, $0x0  }
0x65: {  	s3 =	rddreg [dreg:$0x2];
	[bflag:$0x3] =	sbarrier.arrive $0xFFFF;
	s2 =	simm.s32 @!p0 $0x1C03  }
0x66: {  	[timem:s3], [sflag:s2] =	dma.local @!p0 [hbm:s0], s1  }
0x67: {  	s0 =	simm.s32 @!p0 $0x3  }
0x68: {  	_ =	swait.ge @!p0 [sflag:s0], s1  }
0x69: {  	s1 =	ssub.s32 @!p0 $0x0, s1;
	[sflag:s0] =	ssyncset.done @!p0 $0x0  }
0x6a: {  	[sflag:s0] =	ssyncadd.s32 @!p0 s1  }
0x6b: {  	[bflag:$0x3] =	sbarrier.arrive $0xFFFF  }
0x6c: {  	_ =	shalt  }

// kernel: kernel.14.cloned.1.call-start
scs
__scs_entry_jumppad:
0x0: {  	(pc) =	sbr.rel $0x88, $3  }
0x1: {  	(tag) =	ssettag $0x0;
	lr =	simm.s32 $0x1  }
0x2: {  	[smem:$0x3F87] =	sst lr;
	_ =	strace $0xD0000000  }
0x3: {  	_ = 	snop  }
0x4: {  	_ = 	snop  }
0x5: {  	_ = 	snop  }
0x6: {  	_ = 	snop  }
0x7: {  	_ = 	snop  }
__scs_overlays_trampoline_lowered:
0x8: {  	[smem:$0x3F96] =	sst s0  }
0x9: {  	[smem:$0x3F97] =	sst s1  }
0xa: {  	[smem:$0x3F98] =	sst s2  }
0xb: {  	[smem:$0x3F99] =	sst s3  }
0xc: {  	[smem:$0x3F9A] =	sst s4  }
0xd: {  	[smem:$0x3F9B] =	sst s5  }
0xe: {  	[smem:$0x3F9C] =	sst s6  }
0xf: {  	[smem:$0x3F9D] =	sst s7  }
0x10: {  	[smem:$0x3F9E] =	sst s8  }
0x11: {  	[smem:$0x3F9F] =	sst s9;
	s0 =	simm.s32 @!p0 $0x0  }
0x12: {  	s1 =	sld [smem:$0x3F85];
	s0 =	simm.s32 @p0 $0x1  }
0x13: {  	[smem:$0x3FA0] =	sst s0;
	s0 =	simm.s32 @!p1 $0x0  }
0x14: {  	s2 =	sld [smem:$0x3F84];
	s0 =	simm.s32 @p1 $0x1  }
0x15: {  	[smem:$0x3FA1] =	sst s0;
	s0 =	simm.s32 @!p2 $0x0  }
0x16: {  	s3 =	sld [smem:$0x3FDB];
	s0 =	simm.s32 @p2 $0x1  }
0x17: {  	s4 =	simm.s32 $0x1BF5;
	[smem:$0x3FA3] =	sst s0  }
0x18: {  	s0 =	sld [smem:$0x3F86];
	_ =	swait.ge [sflag:s4], $0x0  }
0x19: {  	s7 =	sld [smem:$0x3F87]  }
0x1a: {  	s8 =	sadd.s32 $0xFFFFE003, lr  }
0x1b: {  	s9 =	sadd.s32 $0xFFFFFEF7, lr;
	s5 =	simm.s32 $0xFFFFFFFF;
	p2 =	slt.u32 s8, $0xFFFFF086  }
0x1c: {  	p1 =	slt.u32 s9, $0xF7A;
	s5 =	simm.s32 @!p2 $0x0  }
0x1d: {  	s5 =	simm.s32 @p1 $0x1;
	p0 =	seq.s32 s7, s2  }
0x1e: {  	s7 =	smul.u32 @!p0 $0xF7A, s2;
	p2 =	seq.s32 @!p0 s5, $0x0  }
0x1f: {  	s9 =	smul.u32 $0xF7A, s1;
	s8 =	simm.s32 @!p0 $0x1BF5;
	p2 =	por !p2, p0  }
0x20: {  	[sflag:s8] =	ssyncset.s32 @!p0 $0xFFFFF086;
	s6 =	sadd.s32 @!p0 s3, s7;
	s7 =	simm.s32 @!p0 $0x108  }
0x21: {  	s3 =	sadd.s32 s3, s9;
	s6 =	sadd.s32 @!p0 $0x88, s6;
	s7 =	simm.s32 @p2 $0x1082  }
0x22: {  	[simem:s7], [sflag:s8] =	dma.local @!p0 [hbm:s6], $0xF7A  }
0x23: {  	s9 =	sor.u32 $0xD0000000, s2;
	s6 =	simm.s32 $0x108;
	_ =	swait.ge @!p0 [sflag:s8], $0x0  }
0x24: {  	s3 =	sadd.s32 $0x88, s3;
	s6 =	simm.s32 @!p1 $0x1082;
	[sflag:s4] =	ssyncset.s32 $0xFFFFF086  }
0x25: {  	[simem:s6], [sflag:s4] =	dma.local [hbm:s3], $0xF7A  }
0x26: {  	[smem:$0x3F87] =	sst s1;
	(tag) =	ssettag s2;
	_ =	strace s9  }
0x27: {  	s1 =	sld [smem:$0x3F97]  }
0x28: {  	s2 =	sld [smem:$0x3F98]  }
0x29: {  	s4 =	sld [smem:$0x3F9A]  }
0x2a: {  	p0 =	seq.s32 s5, $0x0;
	s5 =	sld [smem:$0x3F9B]  }
0x2b: {  	s6 =	sld [smem:$0x3F9C]  }
0x2c: {  	s7 =	sld [smem:$0x3F9D]  }
0x2d: {  	s3 =	simm.s32 $0x108;
	s8 =	sld [smem:$0x3F9E]  }
0x2e: {  	s3 =	simm.s32 @!p0 $0x1082;
	s9 =	sld [smem:$0x3F9F]  }
0x2f: {  	lr =	sadd.s32 s0, s3;
	s0 =	sld [smem:$0x3F96]  }
0x30: {  	s3 =	sld [smem:$0x3F99]  }
0x31: {  	[smem:$0x3FA2] =	sst s10  }
0x32: {  	s10 =	sld [smem:$0x3FA0];
	_ =	sdelay $0x3  }
0x33: {  	p0 =	seq.s32 s10, $0x1;
	s10 =	sld [smem:$0x3FA2];
	_ =	sdelay $0x3  }
0x34: {  	[smem:$0x3FA2] =	sst s10  }
0x35: {  	s10 =	sld [smem:$0x3FA1];
	_ =	sdelay $0x3  }
0x36: {  	p1 =	seq.s32 s10, $0x1;
	s10 =	sld [smem:$0x3FA2];
	_ =	sdelay $0x3  }
0x37: {  	[smem:$0x3FA2] =	sst s10  }
0x38: {  	s10 =	sld [smem:$0x3FA3]  }
0x39: {  	_ = 	snop;
	(pc) =	sbr.ind lr, $3  }
0x3a: {  	_ = 	snop  }
0x3b: {  	_ = 	snop  }
0x3c: {  	p2 =	seq.s32 s10, $0x1;
	s10 =	sld [smem:$0x3FA2]  }
0x3d: {  	_ =	shalt  }
0x3e: {  	_ =	shalt  }
0x3f: {  	_ =	shalt  }
0x40: {  	_ =	shalt  }
0x41: {  	_ =	shalt  }
0x42: {  	_ =	shalt  }
0x43: {  	_ =	shalt  }
0x44: {  	_ =	shalt  }
0x45: {  	_ =	shalt  }
0x46: {  	_ =	shalt  }
0x47: {  	_ =	shalt  }
0x48: {  	_ =	shalt  }
0x49: {  	_ =	shalt  }
0x4a: {  	_ =	shalt  }
0x4b: {  	_ =	shalt  }
0x4c: {  	_ =	shalt  }
0x4d: {  	_ =	shalt  }
0x4e: {  	_ =	shalt  }
0x4f: {  	_ =	shalt  }
0x50: {  	_ =	shalt  }
0x51: {  	_ =	shalt  }
0x52: {  	_ =	shalt  }
0x53: {  	_ =	shalt  }
0x54: {  	_ =	shalt  }
0x55: {  	_ =	shalt  }
0x56: {  	_ =	shalt  }
0x57: {  	_ =	shalt  }
0x58: {  	_ =	shalt  }
0x59: {  	_ =	shalt  }
0x5a: {  	_ =	shalt  }
0x5b: {  	_ =	shalt  }
0x5c: {  	_ =	shalt  }
0x5d: {  	_ =	shalt  }
0x5e: {  	_ =	shalt  }
0x5f: {  	_ =	shalt  }
0x60: {  	_ =	shalt  }
0x61: {  	_ =	shalt  }
0x62: {  	_ =	shalt  }
0x63: {  	_ =	shalt  }
0x64: {  	_ =	shalt  }
0x65: {  	_ =	shalt  }
0x66: {  	_ =	shalt  }
0x67: {  	_ =	shalt  }
0x68: {  	_ =	shalt  }
0x69: {  	_ =	shalt  }
0x6a: {  	_ =	shalt  }
0x6b: {  	_ =	shalt  }
0x6c: {  	_ =	shalt  }
0x6d: {  	_ =	shalt  }
0x6e: {  	_ =	shalt  }
0x6f: {  	_ =	shalt  }
0x70: {  	_ =	shalt  }
0x71: {  	_ =	shalt  }
0x72: {  	_ =	shalt  }
0x73: {  	_ =	shalt  }
0x74: {  	_ =	shalt  }
0x75: {  	_ =	shalt  }
0x76: {  	_ =	shalt  }
0x77: {  	_ =	shalt  }
0x78: {  	_ =	shalt  }
0x79: {  	_ =	shalt  }
0x7a: {  	_ =	shalt  }
0x7b: {  	_ =	shalt  }
0x7c: {  	_ =	shalt  }
0x7d: {  	_ =	shalt  }
0x7e: {  	_ =	shalt  }
0x7f: {  	_ =	shalt  }
0x80: {  	_ =	shalt  }
0x81: {  	_ =	shalt  }
0x82: {  	_ =	shalt  }
0x83: {  	_ =	shalt  }
0x84: {  	_ =	shalt  }
0x85: {  	_ =	shalt  }
0x86: {  	_ =	shalt  }
0x87: {  	_ =	shalt  }
.Lfunc_end0:
.L_simem_size_0:
called_computation.2_lowered:
.L_overlay_start_0:
0x88: {  	s2 =	sld [smem:$0x3FD9]  }
0x89: {  	s3 =	sld [smem:$0x3FFE];
	_ =	sdelay $0x1  }
0x8a: {  	s1 =	srdreg.scid  }
0x8b: {  	s0 =	sand.u32 $0x1, s1  }
0x8c: {  	s14 =	sshll.u32 s0, $0xA;
	s2 =	sadd.s32 s3, s2  }
0x8d: {  	s2 =	sadd.s32 s2, s14  }
0x8e: {  	[smem:$0x3FAE] =	sst s2  }
0x8f: {  	_ = 	snop  }
0x90: {  	s2 =	sld [smem:$0x3FD0];
	_ =	sdelay $0x2  }
0x91: {  	s15 =	simm.s32 $0xA;
	s4 =	simm.s32 $0x10  }
0x92: {  	[smem:s4], [sflag:s15] =	dma.local [hbm:s2], $0x1  }
0x93: {  	_ =	swait.eq [sflag:s15], $0x1  }
0x94: {  	[sflag:s15] =	ssyncset.done $0x0  }
0x95: {  	[sflag:s15] =	ssyncadd.s32 $0xFFFFFFFF  }
0x96: {  	s16 =	sld [smem:$0x10];
	(tm) =	ssettm $0x1  }
0x97: {  	s17 =	sld [smem:$0x3FFB];
	_ =	sdelay $0x3  }
0x98: {  	_ =	strace s17  }
0x99: {  	s3 =	sld [smem:$0x3FFC];
	_ =	sdelay $0x3  }
0x9a: {  	_ =	strace s3  }
0x9b: {  	s3 =	sld [smem:$0x3FFD];
	_ =	sdelay $0x3  }
0x9c: {  	_ =	strace s3  }
0x9d: {  	_ =	strace $0x8FFFFFFF  }
0x9e: {  	s18 =	sld [smem:$0x3FDB];
	_ =	sdelay $0x1  }
0x9f: {  	s19 =	simm.s32 $_scs_section_size  }
0xa0: {  	s5 =	simm.s32 $_size__tile_overlayer_lowered;
	s6 =	simm.s32 $_tile_overlayer_lowered  }
0xa1: {  	s22 =	simm.s32 $0x1BFF;
	s21 =	sshll.u32 s6, $0x1;
	s3 =	sadd.s32 s19, s18  }
0xa2: {  	s7 =	simm.s32 $0x0;
	s20 =	sshll.u32 s5, $0x1;
	s5 =	sadd.s32 s21, s3  }
0xa3: {  	[timem:s7], [sflag:s22] =	dma.local [hbm:s5], s20  }
0xa4: {  	_ =	swait.ge [sflag:s22], s20  }
0xa5: {  	s4 =	ssub.s32 $0x0, s20;
	[sflag:s22] =	ssyncset.done $0x0  }
0xa6: {  	[sflag:s22] =	ssyncadd.s32 s4;
	_ =	sdelay $0x1  }
0xa7: {  	s23 =	simm.s32 $0x1B8B  }
0xa8: {  	_ =	swait.ge [sflag:s23], $0x1  }
0xa9: {  	[sflag:s23] =	ssyncset.done $0x0  }
0xaa: {  	s25 =	simm.s32 $0x1B8E;
	s24 =	sld [smem:$0x3FFE];
	[sflag:s23] =	ssyncadd.s32 $0xFFFFFFFF  }
0xab: {  	s26 =	simm.s32 $execute0_lowered;
	[smem:$0x3FD2] =	sst s25  }
0xac: {  	s5 =	sshll.u32 s26, $0x1;
	_ =	strace $0x8000004C;
	[dreg:$0x1] =	wrdreg $0xFFFFFFFF  }
0xad: {  	s28 =	simm.s32 $_size_execute0_lowered;
	s3 =	sadd.s32 s3, s5;
	[dreg:$0x0] =	wrdreg $0x0  }
0xae: {  	s5 =	sshll.u32 s28, $0x1;
	[dreg:$0x2] =	wrdreg s3  }
0xaf: {  	[dreg:$0x3] =	wrdreg s5  }
0xb0: {  	[dreg:$0x4] =	wrdreg $0xC0  }
0xb1: {  	_ =	task [dreg:s7], $0x5FFFF  }
0xb2: {  	[dreg:$0x1] =	wrdreg $0xFFFFFFFF  }
0xb3: {  	[dreg:$0x0] =	wrdreg $0x60  }
0xb4: {  	[dreg:$0x2] =	wrdreg s24  }
0xb5: {  	[dreg:$0x3] =	wrdreg s16  }
0xb6: {  	[dreg:$0x4] =	wrdreg $0x50A00  }
0xb7: {  	[dreg:$0x5] =	wrdreg $0x9  }
0xb8: {  	_ =	task.clear_ibuf [dreg:s7], $0x6FFFF;
	_ =	strace $0x9000004C  }
0xb9: {  	s29 =	simm.s32 $0x9;
	_ =	strace $0x8000004E  }
0xba: {  	_ =	swait.ge [sflag:s29], $0x1  }
0xbb: {  	[sflag:s29] =	ssyncadd.s32 $0xFFFFFFFF  }
0xbc: {  	_ =	strace $0x9000004E  }
0xbd: {  	_ =	sfence  }
0xbe: {  	s30 =	sld [smem:$0x0];
	_ =	sdelay $0x2  }
0xbf: {  	s31 =	sshll.u32 s1, $0xD;
	s1 =	sshrl.u32 s1, $0x2  }
0xc0: {  	s3 =	sand.u32 $0x4000, s31;
	s1 =	sadd.s32 s1, s30  }
0xc1: {  	s0 =	sor.u32 s3, s0;
	s1 =	sshll.u32 s1, $0x11  }
0xc2: {  	s0 =	sor.u32 s1, s0  }
0xc3: {  	s0 =	sadd.s32 $0x8F2B, s0  }
0xc4: {  	[sflag:s0] =	ssyncadd.remote.s32 $0x1  }
0xc5: {  	_ =	sfence.sel $0xFFFF  }
0xc6: {  	[dreg:$0x0] =	wrdreg $0xFFFFFFFF;
	(pc) =	sbr.abs _section_cstart, $3  }
0xc7: {  	[dreg:$0x1] =	wrdreg $0xFFFFFFFF  }
0xc8: {  	_ =	task.clear_ibuf [dreg:s7], $0x2FFFF;
	_ =	strace $0x9FFFFFFF  }
0xc9: {  	(tm) =	ssettm $0x7FFFFFFF  }
tec
execute0_lowered:
.L_overlay_start_1:
0x0: {  	(tag) =	ssettag $0x1  }
0x1: {  	s8 =	rddreg [dreg:$0x0]  }
0x2: {  	s2 =	rddreg [dreg:$0x1]  }
0x3: {  	s3 =	rddreg [dreg:$0x2]  }
0x4: {  	s0 =	rddreg [dreg:$0x3];
	s4 =	simm.s32 $0x0;
	s1 =	stileid.u32  }
0x5: {  	s5 =	srdreg.scid;
	s16 =	simm.s32 $0x28A0;
	s17 =	simm.s32 $0xA0  }
0x6: {  	s18 =	simm.s32 $0x1;
	s23 =	simm.s32 $0x0;
	[smem:$0x7FF] =	sst s4  }
0x7: {  	s9 =	smul.u32 $0x13880, s1;
	s10 =	sand.u32 $0x1, s5;
	s5 =	sadd.s32 $0x14D8E00, s8  }
0x8: {  	s6 =	sadd.s32 $0xE800, s8;
	s7 =	sadd.s32 $0x4A00, s8;
	s14 =	sshll.u32 s1, $0x1  }
0x9: {  	s31 =	sshll.u32 s1, $0x6;
	_ =	strace $0x8000004D;
	s11 =	smul.u32 $0x138800, s10  }
0xa: {  	s13 =	ssub.s32 $0x2, s10;
	s10 =	sor.u32 s10, s14;
	s14 =	simm.s32 $0x2  }
0xb: {  	s12 =	sshrl.u32 s9, $0x3;
	s30 =	sshrl.u32 s13, $0x1;
	s15 =	sadd.s32 s9, s3  }
0xc: {  	s10 =	smul.u32 $0x2710, s10;
	s11 =	sadd.s32 s9, s11;
	s12 =	sadd.s32 s12, s8  }
0xd: {  	s13 =	ssub.s32 s13, s30;
	s9 =	sor.u32 $0x1C02, s31;
	s11 =	sshrl.u32 s11, $0x3  }
0xe: {  	s11 =	sadd.s32 s11, s8;
	s8 =	sadd.s32 $0x3F800, s12;
	s12 =	smax.u32 s13, $0x1  }
0xf: {  	s13 =	sshrl.u32 s15, $0x3;
	s15 =	simm.s32 $0x50;
	s11 =	sadd.s32 $0x66A00, s11  }
.LBB2_1:
0x10: {  	[spmem:s13], [sflag:s9] =	dma.local [hbm:s8], $0x2710  }
0x11: {  	_ =	swait.ge [sflag:s14], $0x2710  }
0x12: {  	[sflag:s14] =	ssyncset.done $0x0  }
0x13: {  	[sflag:s14] =	ssyncadd.s32 $0xFFFFD8F0  }
0x14: {  	s19 =	simm.s32 $0x0;
	[bflag:$0x0] =	sbarrier.arrive $0xFFFF  }
.LBB2_2:
0x15: {  	s20 =	smul.u32 $0x50, s19;
	_ =	sdelay $0x1  }
0x16: {  	s20 =	sadd.s32 s10, s20  }
0x17: {  	s21 =	sshrl.u32 s20, $0x3  }
0x18: {  	s22 =	sadd.s32 s6, s21  }
0x19: {  	[tilespmem:s23], [sflag:$0x2] =	stream.linear.gather [hbm4b:s22+s23], $0x50, $0x38;
	[tilespmem:$0x18920] =	vst v63  }
0x1a: {  	_ =	swait.ge [sflag:s14], $0x50  }
0x1b: {  	[sflag:s14] =	ssyncset.done $0x0  }
0x1c: {  	s21 =	sadd.s32 s7, s21;
	[sflag:s14] =	ssyncadd.s32 $0xFFFFFFB0  }
0x1d: {  	[tilespmem:s15], [sflag:$0x2] =	stream.linear.gather [hbm4b:s21+s23], $0x50, $0x38;
	[tilespmem:$0x18920] =	vst v63  }
0x1e: {  	_ =	swait.ge [sflag:s14], $0x50  }
0x1f: {  	[sflag:s14] =	ssyncset.done $0x0  }
0x20: {  	s20 =	sshll.u32 s20, $0x4;
	[sflag:s14] =	ssyncadd.s32 $0xFFFFFFB0  }
0x21: {  	[tilespmem:s16], [sflag:$0x1] =	stream.indirect.gather [hbm4b:s2+s15], $0x80, s23, s15, $0xb8;
	[tilespmem:$0x18920] =	vst v63  }
0x22: {  	s20 =	sadd.s32 s5, s20  }
0x23: {  	[tilespmem:s17], [sflag:$0x2] =	stream.linear.gather [hbm4b:s20+s23], $0x2800, $0x38;
	[tilespmem:$0x18920] =	vst v63  }
0x24: {  	_ =	swait.ge [sflag:s14], $0x2800  }
0x25: {  	[sflag:s14] =	ssyncset.done $0x0  }
0x26: {  	[sflag:s14] =	ssyncadd.s32 $0xFFFFD800  }
0x27: {  	_ =	swait.ge [sflag:s18], $0x2800  }
0x28: {  	[sflag:s18] =	ssyncset.done $0x0  }
0x29: {  	s20 =	simm.s32 $0x0;
	[sflag:s18] =	ssyncadd.s32 $0xFFFFD800  }
0x2a: {  	v7 =	vld [tilespmem:s20+$0xA0]  }
0x2b: {  	v11 =	vld [tilespmem:s20+$0xB0]  }
0x2c: {  	v5 =	vld [tilespmem:s20+$0xC0]  }
0x2d: {  	v4 =	vld [tilespmem:s20+$0xD0]  }
0x2e: {  	v3 =	vld [tilespmem:s20+$0xE0]  }
0x2f: {  	v2 =	vld [tilespmem:s20+$0xF0]  }
0x30: {  	v1 =	vld [tilespmem:s20+$0x100]  }
0x31: {  	v0 =	vld [tilespmem:s20+$0x110]  }
0x32: {  	v12 =	vld [tilespmem:s20+$0x28A0]  }
0x33: {  	v13 =	vld [tilespmem:s20+$0x28B0]  }
0x34: {  	v10 =	vld [tilespmem:s20+$0x28C0]  }
0x35: {  	v9 =	vld [tilespmem:s20+$0x28D0]  }
0x36: {  	v8 =	vld [tilespmem:s20+$0x28E0]  }
0x37: {  	v6 =	vld [tilespmem:s20+$0x28F0];
	v12 =	vmul.f32 v7, v12  }
0x38: {  	s21 =	simm.s32 $0x200;
	v11 =	vmul.f32 v11, v13;
	v7 =	vld [tilespmem:s20+$0x2900]  }
.LBB2_3:
0x39: {  	s22 =	sshra.s32 s21, $0x2;
	p0 =	sne.s32 s21, $0x9E00;
	[tilespmem:s20+$0x28A0] =	vst v12;
	v5 =	vmul.f32 v5, v10;
	v10 =	vld [tilespmem:s20+$0x2910]  }
0x3a: {  	v12 =	vld [tilespmem:s22+$0xA0];
	[tilespmem:s20+$0x28B0] =	vst v11;
	v4 =	vmul.f32 v4, v9  }
0x3b: {  	v11 =	vld [tilespmem:s22+$0xB0];
	[tilespmem:s20+$0x28C0] =	vst v5;
	v3 =	vmul.f32 v3, v8  }
0x3c: {  	v5 =	vld [tilespmem:s22+$0xC0];
	[tilespmem:s20+$0x28D0] =	vst v4;
	v2 =	vmul.f32 v2, v6  }
0x3d: {  	v4 =	vld [tilespmem:s22+$0xD0];
	[tilespmem:s20+$0x28E0] =	vst v3;
	v1 =	vmul.f32 v1, v7  }
0x3e: {  	v3 =	vld [tilespmem:s22+$0xE0];
	[tilespmem:s20+$0x28F0] =	vst v2;
	v0 =	vmul.f32 v0, v10  }
0x3f: {  	v2 =	vld [tilespmem:s22+$0xF0];
	[tilespmem:s20+$0x2900] =	vst v1  }
0x40: {  	v1 =	vld [tilespmem:s22+$0x100];
	[tilespmem:s20+$0x2910] =	vst v0;
	s20 =	smov.u32 s22  }
0x41: {  	v0 =	vld [tilespmem:s20+$0x110]  }
0x42: {  	v6 =	vld [tilespmem:s20+$0x28A0]  }
0x43: {  	v7 =	vld [tilespmem:s20+$0x28B0]  }
.Ltmp0:
0x44: {  	v10 =	vld [tilespmem:s20+$0x28C0];
	(pc) =	sbr.rel @p0 .LBB2_3-.Ltmp0, $4  }
0x45: {  	v9 =	vld [tilespmem:s20+$0x28D0]  }
0x46: {  	v8 =	vld [tilespmem:s20+$0x28E0]  }
0x47: {  	v12 =	vmul.f32 v12, v6;
	v6 =	vld [tilespmem:s20+$0x28F0]  }
0x48: {  	s21 =	sadd.s32 $0x200, s21;
	v11 =	vmul.f32 v11, v7;
	v7 =	vld [tilespmem:s20+$0x2900]  }
0x49: {  	[tilespmem:s20+$0x28A0] =	vst v12;
	v5 =	vmul.f32 v5, v10;
	v63 =	vld [tilespmem:s20+$0x2910]  }
0x4a: {  	[tilespmem:s20+$0x28B0] =	vst v11;
	v4 =	vmul.f32 v4, v9  }
0x4b: {  	[tilespmem:s20+$0x28C0] =	vst v5;
	v3 =	vmul.f32 v3, v8  }
0x4c: {  	[tilespmem:s20+$0x28D0] =	vst v4;
	v2 =	vmul.f32 v2, v6  }
0x4d: {  	[tilespmem:s20+$0x28E0] =	vst v3;
	v1 =	vmul.f32 v1, v7  }
0x4e: {  	s19 =	sadd.s32 $0x1, s19;
	[tilespmem:s20+$0x28F0] =	vst v2;
	v0 =	vmul.f32 v0, v63  }
0x4f: {  	p0 =	sne.s32 s19, $0x7D;
	[tilespmem:s20+$0x2900] =	vst v1  }
.Ltmp1:
0x50: {  	[tilespmem:s20+$0x2910] =	vst v0;
	(pc) =	sbr.rel @p0 .LBB2_2-.Ltmp1, $4  }
0x51: {  	[spmem:s3] =	stream.indirect.scatter.add.f32 [tilespmem:s16], [sflag:$0x2], $0x80, s15, s15, $0xb8;
	[tilespmem:$0x18920] =	vst v63  }
0x52: {  	_ =	swait.ge [sflag:s14], $0x2800  }
0x53: {  	[sflag:s14] =	ssyncset.done $0x0  }
0x54: {  	[sflag:s14] =	ssyncadd.s32 $0xFFFFD800  }
0x55: {  	s4 =	sadd.s32 $0x1, s4  }
0x56: {  	p0 =	sne.s32 s4, s12  }
.Ltmp2:
0x57: {  	[bflag:$0x0] =	sbarrier.arrive $0xFFFF;
	(pc) =	sbr.rel @p0 .LBB2_1-.Ltmp2, $4  }
0x58: {  	[hbm:s11], [sflag:s9] =	dma.local [spmem:s13], $0x2710  }
0x59: {  	_ =	swait.ge [sflag:s14], $0x2710  }
0x5a: {  	[sflag:s14] =	ssyncset.done $0x0  }
0x5b: {  	[sflag:s14] =	ssyncadd.s32 $0xFFFFD8F0  }
0x5c: {  	_ =	sfence.sel $0x180000  }
0x5d: {  	[bflag:$0x0] =	sbarrier.arrive $0xFFFF  }
0x5e: {  	p0 =	sne.s32 s1, $0x0;
	_ =	strace $0x9000004D  }
0x5f: {  	s0 =	sadd.s32 @!p0 $0x100000, s0;
	[bflag:$0x2] =	sbarrier.arrive $0xFFFF  }
0x60: {  	[sflag:s0] =	ssyncadd.tile.s32 @!p0 $0x1;
	_ =	shalt  }
.Lfunc_end2:
_tile_overlayer_lowered:
.L_overlay_start_2:
0x61: {  	(tag) =	ssettag $0x2  }
0x62: {  	s0 =	rddreg [dreg:$0x0];
	s2 =	stileid.u32  }
0x63: {  	s1 =	rddreg [dreg:$0x1];
	p0 =	sne.s32 s2, $0x0  }
0x64: {  	s3 =	rddreg [dreg:$0x2];
	[bflag:$0x3] =	sbarrier.arrive $0xFFFF;
	s2 =	simm.s32 @!p0 $0x1C02  }
0x65: {  	[timem:s3], [sflag:s2] =	dma.local @!p0 [hbm:s0], s1  }
0x66: {  	s0 =	simm.s32 @!p0 $0x2  }
0x67: {  	_ =	swait.ge @!p0 [sflag:s0], s1  }
0x68: {  	s1 =	ssub.s32 @!p0 $0x0, s1;
	[sflag:s0] =	ssyncset.done @!p0 $0x0  }
0x69: {  	[sflag:s0] =	ssyncadd.s32 @!p0 s1  }
0x6a: {  	[bflag:$0x3] =	sbarrier.arrive $0xFFFF  }
0x6b: {  	_ =	shalt  }

// kernel: kernel.8.cloned.1.call-start
scs
__scs_entry_jumppad:
0x0: {  	(pc) =	sbr.rel $0x88, $3  }
0x1: {  	(tag) =	ssettag $0x0;
	lr =	simm.s32 $0x1  }
0x2: {  	[smem:$0x3F87] =	sst lr;
	_ =	strace $0xD0000000  }
0x3: {  	_ = 	snop  }
0x4: {  	_ = 	snop  }
0x5: {  	_ = 	snop  }
0x6: {  	_ = 	snop  }
0x7: {  	_ = 	snop  }
__scs_overlays_trampoline_lowered:
0x8: {  	[smem:$0x3F96] =	sst s0  }
0x9: {  	[smem:$0x3F97] =	sst s1  }
0xa: {  	[smem:$0x3F98] =	sst s2  }
0xb: {  	[smem:$0x3F99] =	sst s3  }
0xc: {  	[smem:$0x3F9A] =	sst s4  }
0xd: {  	[smem:$0x3F9B] =	sst s5  }
0xe: {  	[smem:$0x3F9C] =	sst s6  }
0xf: {  	[smem:$0x3F9D] =	sst s7  }
0x10: {  	[smem:$0x3F9E] =	sst s8  }
0x11: {  	[smem:$0x3F9F] =	sst s9;
	s0 =	simm.s32 @!p0 $0x0  }
0x12: {  	s1 =	sld [smem:$0x3F85];
	s0 =	simm.s32 @p0 $0x1  }
0x13: {  	[smem:$0x3FA0] =	sst s0;
	s0 =	simm.s32 @!p1 $0x0  }
0x14: {  	s2 =	sld [smem:$0x3F84];
	s0 =	simm.s32 @p1 $0x1  }
0x15: {  	[smem:$0x3FA1] =	sst s0;
	s0 =	simm.s32 @!p2 $0x0  }
0x16: {  	s3 =	sld [smem:$0x3FDB];
	s0 =	simm.s32 @p2 $0x1  }
0x17: {  	s4 =	simm.s32 $0x1BF5;
	[smem:$0x3FA3] =	sst s0  }
0x18: {  	s0 =	sld [smem:$0x3F86];
	_ =	swait.ge [sflag:s4], $0x0  }
0x19: {  	s7 =	sld [smem:$0x3F87]  }
0x1a: {  	s8 =	sadd.s32 $0xFFFFE003, lr  }
0x1b: {  	s9 =	sadd.s32 $0xFFFFFEF7, lr;
	s5 =	simm.s32 $0xFFFFFFFF;
	p2 =	slt.u32 s8, $0xFFFFF086  }
0x1c: {  	p1 =	slt.u32 s9, $0xF7A;
	s5 =	simm.s32 @!p2 $0x0  }
0x1d: {  	s5 =	simm.s32 @p1 $0x1;
	p0 =	seq.s32 s7, s2  }
0x1e: {  	s7 =	smul.u32 @!p0 $0xF7A, s2;
	p2 =	seq.s32 @!p0 s5, $0x0  }
0x1f: {  	s9 =	smul.u32 $0xF7A, s1;
	s8 =	simm.s32 @!p0 $0x1BF5;
	p2 =	por !p2, p0  }
0x20: {  	[sflag:s8] =	ssyncset.s32 @!p0 $0xFFFFF086;
	s6 =	sadd.s32 @!p0 s3, s7;
	s7 =	simm.s32 @!p0 $0x108  }
0x21: {  	s3 =	sadd.s32 s3, s9;
	s6 =	sadd.s32 @!p0 $0x88, s6;
	s7 =	simm.s32 @p2 $0x1082  }
0x22: {  	[simem:s7], [sflag:s8] =	dma.local @!p0 [hbm:s6], $0xF7A  }
0x23: {  	s9 =	sor.u32 $0xD0000000, s2;
	s6 =	simm.s32 $0x108;
	_ =	swait.ge @!p0 [sflag:s8], $0x0  }
0x24: {  	s3 =	sadd.s32 $0x88, s3;
	s6 =	simm.s32 @!p1 $0x1082;
	[sflag:s4] =	ssyncset.s32 $0xFFFFF086  }
0x25: {  	[simem:s6], [sflag:s4] =	dma.local [hbm:s3], $0xF7A  }
0x26: {  	[smem:$0x3F87] =	sst s1;
	(tag) =	ssettag s2;
	_ =	strace s9  }
0x27: {  	s1 =	sld [smem:$0x3F97]  }
0x28: {  	s2 =	sld [smem:$0x3F98]  }
0x29: {  	s4 =	sld [smem:$0x3F9A]  }
0x2a: {  	p0 =	seq.s32 s5, $0x0;
	s5 =	sld [smem:$0x3F9B]  }
0x2b: {  	s6 =	sld [smem:$0x3F9C]  }
0x2c: {  	s7 =	sld [smem:$0x3F9D]  }
0x2d: {  	s3 =	simm.s32 $0x108;
	s8 =	sld [smem:$0x3F9E]  }
0x2e: {  	s3 =	simm.s32 @!p0 $0x1082;
	s9 =	sld [smem:$0x3F9F]  }
0x2f: {  	lr =	sadd.s32 s0, s3;
	s0 =	sld [smem:$0x3F96]  }
0x30: {  	s3 =	sld [smem:$0x3F99]  }
0x31: {  	[smem:$0x3FA2] =	sst s10  }
0x32: {  	s10 =	sld [smem:$0x3FA0];
	_ =	sdelay $0x3  }
0x33: {  	p0 =	seq.s32 s10, $0x1;
	s10 =	sld [smem:$0x3FA2];
	_ =	sdelay $0x3  }
0x34: {  	[smem:$0x3FA2] =	sst s10  }
0x35: {  	s10 =	sld [smem:$0x3FA1];
	_ =	sdelay $0x3  }
0x36: {  	p1 =	seq.s32 s10, $0x1;
	s10 =	sld [smem:$0x3FA2];
	_ =	sdelay $0x3  }
0x37: {  	[smem:$0x3FA2] =	sst s10  }
0x38: {  	s10 =	sld [smem:$0x3FA3]  }
0x39: {  	_ = 	snop;
	(pc) =	sbr.ind lr, $3  }
0x3a: {  	_ = 	snop  }
0x3b: {  	_ = 	snop  }
0x3c: {  	p2 =	seq.s32 s10, $0x1;
	s10 =	sld [smem:$0x3FA2]  }
0x3d: {  	_ =	shalt  }
0x3e: {  	_ =	shalt  }
0x3f: {  	_ =	shalt  }
0x40: {  	_ =	shalt  }
0x41: {  	_ =	shalt  }
0x42: {  	_ =	shalt  }
0x43: {  	_ =	shalt  }
0x44: {  	_ =	shalt  }
0x45: {  	_ =	shalt  }
0x46: {  	_ =	shalt  }
0x47: {  	_ =	shalt  }
0x48: {  	_ =	shalt  }
0x49: {  	_ =	shalt  }
0x4a: {  	_ =	shalt  }
0x4b: {  	_ =	shalt  }
0x4c: {  	_ =	shalt  }
0x4d: {  	_ =	shalt  }
0x4e: {  	_ =	shalt  }
0x4f: {  	_ =	shalt  }
0x50: {  	_ =	shalt  }
0x51: {  	_ =	shalt  }
0x52: {  	_ =	shalt  }
0x53: {  	_ =	shalt  }
0x54: {  	_ =	shalt  }
0x55: {  	_ =	shalt  }
0x56: {  	_ =	shalt  }
0x57: {  	_ =	shalt  }
0x58: {  	_ =	shalt  }
0x59: {  	_ =	shalt  }
0x5a: {  	_ =	shalt  }
0x5b: {  	_ =	shalt  }
0x5c: {  	_ =	shalt  }
0x5d: {  	_ =	shalt  }
0x5e: {  	_ =	shalt  }
0x5f: {  	_ =	shalt  }
0x60: {  	_ =	shalt  }
0x61: {  	_ =	shalt  }
0x62: {  	_ =	shalt  }
0x63: {  	_ =	shalt  }
0x64: {  	_ =	shalt  }
0x65: {  	_ =	shalt  }
0x66: {  	_ =	shalt  }
0x67: {  	_ =	shalt  }
0x68: {  	_ =	shalt  }
0x69: {  	_ =	shalt  }
0x6a: {  	_ =	shalt  }
0x6b: {  	_ =	shalt  }
0x6c: {  	_ =	shalt  }
0x6d: {  	_ =	shalt  }
0x6e: {  	_ =	shalt  }
0x6f: {  	_ =	shalt  }
0x70: {  	_ =	shalt  }
0x71: {  	_ =	shalt  }
0x72: {  	_ =	shalt  }
0x73: {  	_ =	shalt  }
0x74: {  	_ =	shalt  }
0x75: {  	_ =	shalt  }
0x76: {  	_ =	shalt  }
0x77: {  	_ =	shalt  }
0x78: {  	_ =	shalt  }
0x79: {  	_ =	shalt  }
0x7a: {  	_ =	shalt  }
0x7b: {  	_ =	shalt  }
0x7c: {  	_ =	shalt  }
0x7d: {  	_ =	shalt  }
0x7e: {  	_ =	shalt  }
0x7f: {  	_ =	shalt  }
0x80: {  	_ =	shalt  }
0x81: {  	_ =	shalt  }
0x82: {  	_ =	shalt  }
0x83: {  	_ =	shalt  }
0x84: {  	_ =	shalt  }
0x85: {  	_ =	shalt  }
0x86: {  	_ =	shalt  }
0x87: {  	_ =	shalt  }
.Lfunc_end0:
.L_simem_size_0:
called_computation_lowered:
.L_overlay_start_0:
0x88: {  	s2 =	sld [smem:$0x3FD9]  }
0x89: {  	s3 =	sld [smem:$0x3FFE];
	_ =	sdelay $0x1  }
0x8a: {  	s1 =	srdreg.scid  }
0x8b: {  	s0 =	sand.u32 $0x1, s1  }
0x8c: {  	s14 =	sshll.u32 s0, $0xA;
	s2 =	sadd.s32 s3, s2  }
0x8d: {  	s2 =	sadd.s32 s2, s14  }
0x8e: {  	[smem:$0x3FAE] =	sst s2  }
0x8f: {  	_ = 	snop  }
0x90: {  	s2 =	sld [smem:$0x3FD0];
	_ =	sdelay $0x2  }
0x91: {  	s15 =	simm.s32 $0xA;
	s4 =	simm.s32 $0x10  }
0x92: {  	[smem:s4], [sflag:s15] =	dma.local [hbm:s2], $0x1  }
0x93: {  	_ =	swait.eq [sflag:s15], $0x1  }
0x94: {  	[sflag:s15] =	ssyncset.done $0x0  }
0x95: {  	[sflag:s15] =	ssyncadd.s32 $0xFFFFFFFF  }
0x96: {  	s16 =	sld [smem:$0x10];
	(tm) =	ssettm $0x1  }
0x97: {  	s17 =	sld [smem:$0x3FFB];
	_ =	sdelay $0x3  }
0x98: {  	_ =	strace s17  }
0x99: {  	s3 =	sld [smem:$0x3FFC];
	_ =	sdelay $0x3  }
0x9a: {  	_ =	strace s3  }
0x9b: {  	s3 =	sld [smem:$0x3FFD];
	_ =	sdelay $0x3  }
0x9c: {  	_ =	strace s3  }
0x9d: {  	_ =	strace $0x8FFFFFFF  }
0x9e: {  	s18 =	sld [smem:$0x3FDB];
	_ =	sdelay $0x1  }
0x9f: {  	s19 =	simm.s32 $_scs_section_size  }
0xa0: {  	s5 =	simm.s32 $_size__tile_overlayer_lowered;
	s6 =	simm.s32 $_tile_overlayer_lowered  }
0xa1: {  	s22 =	simm.s32 $0x1BFF;
	s21 =	sshll.u32 s6, $0x1;
	s3 =	sadd.s32 s19, s18  }
0xa2: {  	s7 =	simm.s32 $0x0;
	s20 =	sshll.u32 s5, $0x1;
	s5 =	sadd.s32 s21, s3  }
0xa3: {  	[timem:s7], [sflag:s22] =	dma.local [hbm:s5], s20  }
0xa4: {  	_ =	swait.ge [sflag:s22], s20  }
0xa5: {  	s4 =	ssub.s32 $0x0, s20;
	[sflag:s22] =	ssyncset.done $0x0  }
0xa6: {  	[sflag:s22] =	ssyncadd.s32 s4;
	_ =	sdelay $0x1  }
0xa7: {  	s23 =	simm.s32 $0x1B8B  }
0xa8: {  	_ =	swait.ge [sflag:s23], $0x1  }
0xa9: {  	[sflag:s23] =	ssyncset.done $0x0  }
0xaa: {  	s25 =	simm.s32 $0x1B8E;
	s24 =	sld [smem:$0x3FFE];
	[sflag:s23] =	ssyncadd.s32 $0xFFFFFFFF  }
0xab: {  	s26 =	simm.s32 $execute0_lowered;
	[smem:$0x3FD2] =	sst s25  }
0xac: {  	s5 =	sshll.u32 s26, $0x1;
	_ =	strace $0x80000046;
	[dreg:$0x1] =	wrdreg $0xFFFFFFFF  }
0xad: {  	s28 =	simm.s32 $_size_execute0_lowered;
	s3 =	sadd.s32 s3, s5;
	[dreg:$0x0] =	wrdreg $0x0  }
0xae: {  	s5 =	sshll.u32 s28, $0x1;
	[dreg:$0x2] =	wrdreg s3  }
0xaf: {  	[dreg:$0x3] =	wrdreg s5  }
0xb0: {  	[dreg:$0x4] =	wrdreg $0xC0  }
0xb1: {  	_ =	task [dreg:s7], $0x5FFFF  }
0xb2: {  	[dreg:$0x1] =	wrdreg $0xFFFFFFFF  }
0xb3: {  	[dreg:$0x0] =	wrdreg $0x60  }
0xb4: {  	[dreg:$0x2] =	wrdreg s16  }
0xb5: {  	[dreg:$0x3] =	wrdreg s24  }
0xb6: {  	[dreg:$0x4] =	wrdreg $0x9  }
0xb7: {  	_ =	task.clear_ibuf [dreg:s7], $0x5FFFF;
	_ =	strace $0x90000046  }
0xb8: {  	s29 =	simm.s32 $0x9;
	_ =	strace $0x80000048  }
0xb9: {  	_ =	swait.ge [sflag:s29], $0x1  }
0xba: {  	[sflag:s29] =	ssyncadd.s32 $0xFFFFFFFF  }
0xbb: {  	_ =	strace $0x90000048  }
0xbc: {  	_ =	sfence  }
0xbd: {  	s30 =	sld [smem:$0x0];
	_ =	sdelay $0x2  }
0xbe: {  	s31 =	sshll.u32 s1, $0xD;
	s1 =	sshrl.u32 s1, $0x2  }
0xbf: {  	s3 =	sand.u32 $0x4000, s31;
	s1 =	sadd.s32 s1, s30  }
0xc0: {  	s0 =	sor.u32 s3, s0;
	s1 =	sshll.u32 s1, $0x11  }
0xc1: {  	s0 =	sor.u32 s1, s0  }
0xc2: {  	s0 =	sadd.s32 $0x8F2B, s0  }
0xc3: {  	[sflag:s0] =	ssyncadd.remote.s32 $0x1  }
0xc4: {  	_ =	sfence.sel $0xFFFF  }
0xc5: {  	[dreg:$0x0] =	wrdreg $0xFFFFFFFF;
	(pc) =	sbr.abs _section_cstart, $3  }
0xc6: {  	[dreg:$0x1] =	wrdreg $0xFFFFFFFF  }
0xc7: {  	_ =	task.clear_ibuf [dreg:s7], $0x2FFFF;
	_ =	strace $0x9FFFFFFF  }
0xc8: {  	(tm) =	ssettm $0x7FFFFFFF  }
0xc9: {  	_ =	shalt  }
tec
execute0_lowered:
.L_overlay_start_1:
0x0: {  	(tag) =	ssettag $0x1  }
0x1: {  	s2 =	rddreg [dreg:$0x0]  }
0x2: {  	s0 =	rddreg [dreg:$0x1]  }
0x3: {  	s1 =	srdreg.scid;
	s16 =	stileid.u32;
	s3 =	simm.s32 $0x0  }
0x4: {  	s17 =	simm.s32 $0x50;
	s18 =	simm.s32 $0xA0;
	s19 =	simm.s32 $0x5A0  }
0x5: {  	s20 =	simm.s32 $0xAA0;
	s28 =	simm.s32 $0x4;
	s29 =	simm.s32 $0x0  }
0x6: {  	s6 =	sand.u32 $0x1, s1;
	s21 =	sshll.u32 s16, $0x1;
	s8 =	smul.u32 $0x4E20, s16  }
0x7: {  	[smem:$0x7FF] =	sst s3;
	s4 =	sadd.s32 $0xE800, s0;
	s31 =	smul.u32 $0x9C40, s16  }
0x8: {  	s5 =	sadd.s32 $0x4A00, s0;
	s11 =	sadd.s32 $0xB4A00, s0;
	s10 =	smul.u32 $0x2710, s6  }
0x9: {  	s1 =	sor.u32 s6, s21;
	s9 =	ssub.s32 $0x2, s6;
	s6 =	smul.u32 $0x4E20, s6  }
0xa: {  	s12 =	sadd.s32 $0x18600, s0;
	s16 =	simm.s32 $0x5;
	s7 =	smul.u32 $0x2710, s1  }
0xb: {  	_ =	strace $0x80000047;
	s22 =	sshrl.u32 s9, $0x1;
	s1 =	smul.u32 $0x27100, s1  }
0xc: {  	s21 =	simm.s32 $0xAF0;
	s0 =	ssub.s32 s9, s22;
	s13 =	sadd.s32 s10, s8  }
0xd: {  	s22 =	simm.s32 $0xB40;
	s7 =	sshrl.u32 s7, $0x3;
	s1 =	sshrl.u32 s1, $0x3  }
0xe: {  	s14 =	sadd.s32 $0x50, s13;
	s10 =	smax.u32 s0, $0x1;
	s0 =	sadd.s32 $0xA0, s13  }
0xf: {  	s23 =	sadd.s32 s4, s7;
	s7 =	sadd.s32 s5, s7;
	s1 =	sadd.s32 $0x4D80, s1  }
0x10: {  	s15 =	sshll.u32 s14, $0x1;
	s30 =	sshrl.u32 s14, $0x3;
	[dreg:$0x5] =	wrdreg s23  }
0x11: {  	[dreg:$0x6] =	wrdreg s7;
	s24 =	sadd.s32 s11, s1;
	s9 =	sadd.s32 s12, s1  }
0x12: {  	s25 =	sadd.s32 s15, s11;
	s26 =	sadd.s32 s15, s12;
	s1 =	sadd.s32 s30, s5  }
0x13: {  	s13 =	sadd.s32 s30, s4;
	s12 =	sadd.s32 s31, s12;
	[dreg:$0x7] =	wrdreg s24  }
0x14: {  	s11 =	sadd.s32 s31, s11;
	s23 =	simm.s32 $0x1040;
	[dreg:$0x3] =	wrdreg s25  }
0x15: {  	[dreg:$0x4] =	wrdreg s26;
	s14 =	sadd.s32 s6, s12;
	s15 =	sadd.s32 s6, s11  }
0x16: {  	s24 =	simm.s32 $0x1;
	s25 =	simm.s32 $0x2;
	s26 =	simm.s32 $0x3  }
.LBB2_1:
0x17: {  	s6 =	rddreg [dreg:$0x5]  }
0x18: {  	[tilespmem:s3], [sflag:$0x5] =	stream.linear.gather [hbm4b:s6+s3], $0x50, $0x38;
	[tilespmem:$0x1540] =	vst v63  }
0x19: {  	_ =	swait.ge [sflag:s16], $0x50  }
0x1a: {  	[sflag:s16] =	ssyncset.done $0x0  }
0x1b: {  	s11 =	rddreg [dreg:$0x6];
	[sflag:s16] =	ssyncadd.s32 $0xFFFFFFB0  }
0x1c: {  	[tilespmem:s17], [sflag:$0x5] =	stream.linear.gather [hbm4b:s11+s3], $0x50, $0x38;
	[tilespmem:$0x1540] =	vst v63  }
0x1d: {  	_ =	swait.ge [sflag:s16], $0x50  }
0x1e: {  	[sflag:s16] =	ssyncset.done $0x0  }
0x1f: {  	[sflag:s16] =	ssyncadd.s32 $0xFFFFFFB0  }
0x20: {  	[tilespmem:s18], [sflag:$0x1] =	stream.indirect.gather [hbm4b:s2+s17], $0x10, s3, s17, $0xb8;
	[tilespmem:$0x1540] =	vst v63  }
0x21: {  	_ = 	snop  }
0x22: {  	[tilespmem:s19], [sflag:$0x2] =	stream.indirect.gather [hbm4b:s2+s17], $0x10, s17, s17, $0xb8;
	[tilespmem:$0x1540] =	vst v63  }
0x23: {  	_ = 	snop  }
0x24: {  	[tilespmem:s20], [sflag:$0x5] =	stream.linear.gather [hbm4b:s13+s3], $0x50, $0x38;
	[tilespmem:$0x1540] =	vst v63  }
0x25: {  	_ =	swait.ge [sflag:s16], $0x50  }
0x26: {  	[sflag:s16] =	ssyncset.done $0x0  }
0x27: {  	[sflag:s16] =	ssyncadd.s32 $0xFFFFFFB0  }
0x28: {  	[tilespmem:s21], [sflag:$0x5] =	stream.linear.gather [hbm4b:s1+s3], $0x50, $0x38;
	[tilespmem:$0x1540] =	vst v63  }
0x29: {  	_ =	swait.ge [sflag:s16], $0x50  }
0x2a: {  	[sflag:s16] =	ssyncset.done $0x0  }
0x2b: {  	[sflag:s16] =	ssyncadd.s32 $0xFFFFFFB0  }
0x2c: {  	[tilespmem:s22], [sflag:$0x3] =	stream.indirect.gather [hbm4b:s2+s17], $0x10, s20, s17, $0xb8;
	[tilespmem:$0x1540] =	vst v63  }
0x2d: {  	_ = 	snop  }
0x2e: {  	[tilespmem:s23], [sflag:$0x4] =	stream.indirect.gather [hbm4b:s2+s17], $0x10, s21, s17, $0xb8;
	[tilespmem:$0x1540] =	vst v63  }
0x2f: {  	_ =	swait.ge [sflag:s24], $0x500  }
0x30: {  	[sflag:s24] =	ssyncset.done $0x0  }
0x31: {  	[sflag:s24] =	ssyncadd.s32 $0xFFFFFB00  }
0x32: {  	_ =	swait.ge [sflag:s25], $0x500  }
0x33: {  	[sflag:s25] =	ssyncset.done $0x0  }
0x34: {  	s12 =	sadd.s32 $0x0, s15;
	[sflag:s25] =	ssyncadd.s32 $0xFFFFFB00  }
0x35: {  	[hbm4b:s12+s3] =	stream.linear.scatter [tilespmem:s18], [sflag:$0x5], $0x500, $0x38;
	[tilespmem:$0x1540] =	vst v63  }
0x36: {  	_ =	swait.ge [sflag:s16], $0x500  }
0x37: {  	[sflag:s16] =	ssyncset.done $0x0  }
0x38: {  	s7 =	sadd.s32 $0x0, s14;
	[sflag:s16] =	ssyncadd.s32 $0xFFFFFB00  }
0x39: {  	[hbm4b:s7+s3] =	stream.linear.scatter [tilespmem:s19], [sflag:$0x5], $0x500, $0x38;
	[tilespmem:$0x1540] =	vst v63  }
0x3a: {  	_ =	swait.ge [sflag:s16], $0x500  }
0x3b: {  	s8 =	sshrl.u32 s0, $0x3;
	[sflag:s16] =	ssyncset.done $0x0  }
0x3c: {  	s11 =	sadd.s32 s4, s8;
	[sflag:s16] =	ssyncadd.s32 $0xFFFFFB00  }
0x3d: {  	[tilespmem:s3], [sflag:$0x5] =	stream.linear.gather [hbm4b:s11+s3], $0x50, $0x38;
	[tilespmem:$0x1540] =	vst v63  }
0x3e: {  	_ =	swait.ge [sflag:s16], $0x50  }
0x3f: {  	[sflag:s16] =	ssyncset.done $0x0  }
0x40: {  	s6 =	sadd.s32 s5, s8;
	[sflag:s16] =	ssyncadd.s32 $0xFFFFFFB0  }
0x41: {  	[tilespmem:s17], [sflag:$0x5] =	stream.linear.gather [hbm4b:s6+s3], $0x50, $0x38;
	[tilespmem:$0x1540] =	vst v63  }
0x42: {  	_ =	swait.ge [sflag:s16], $0x50  }
0x43: {  	[sflag:s16] =	ssyncset.done $0x0  }
0x44: {  	[sflag:s16] =	ssyncadd.s32 $0xFFFFFFB0  }
0x45: {  	[tilespmem:s18], [sflag:$0x1] =	stream.indirect.gather [hbm4b:s2+s17], $0x10, s3, s17, $0xb8;
	[tilespmem:$0x1540] =	vst v63  }
0x46: {  	_ = 	snop  }
0x47: {  	[tilespmem:s19], [sflag:$0x2] =	stream.indirect.gather [hbm4b:s2+s17], $0x10, s17, s17, $0xb8;
	[tilespmem:$0x1540] =	vst v63  }
0x48: {  	_ =	swait.ge [sflag:s26], $0x500  }
0x49: {  	[sflag:s26] =	ssyncset.done $0x0  }
0x4a: {  	[sflag:s26] =	ssyncadd.s32 $0xFFFFFB00  }
0x4b: {  	_ =	swait.ge [sflag:s28], $0x500  }
0x4c: {  	s11 =	rddreg [dreg:$0x3];
	[sflag:s28] =	ssyncset.done $0x0  }
0x4d: {  	[sflag:s28] =	ssyncadd.s32 $0xFFFFFB00;
	s6 =	sadd.s32 $0x0, s11  }
0x4e: {  	[hbm4b:s6+s3] =	stream.linear.scatter [tilespmem:s22], [sflag:$0x5], $0x500, $0x38;
	[tilespmem:$0x1540] =	vst v63  }
0x4f: {  	_ =	swait.ge [sflag:s16], $0x500  }
0x50: {  	s12 =	rddreg [dreg:$0x4];
	[sflag:s16] =	ssyncset.done $0x0  }
0x51: {  	[sflag:s16] =	ssyncadd.s32 $0xFFFFFB00;
	s6 =	sadd.s32 $0x0, s12  }
0x52: {  	[hbm4b:s6+s3] =	stream.linear.scatter [tilespmem:s23], [sflag:$0x5], $0x500, $0x38;
	[tilespmem:$0x1540] =	vst v63  }
0x53: {  	s30 =	simm.s32 $0x140;
	s31 =	sadd.s32 $0x14, s13;
	_ =	swait.ge [sflag:s16], $0x500  }
0x54: {  	s11 =	smov.u32 s0;
	s12 =	smov.u32 s1;
	[sflag:s16] =	ssyncset.done $0x0  }
.LBB2_2:
0x55: {  	[sflag:s16] =	ssyncadd.s32 $0xFFFFFB00  }
0x56: {  	[tilespmem:s20], [sflag:$0x5] =	stream.linear.gather [hbm4b:s31+s3], $0x50, $0x38;
	[tilespmem:$0x1540] =	vst v63  }
0x57: {  	_ =	swait.ge [sflag:s16], $0x50  }
0x58: {  	[sflag:s16] =	ssyncset.done $0x0  }
0x59: {  	s12 =	sadd.s32 $0x14, s12;
	[sflag:s16] =	ssyncadd.s32 $0xFFFFFFB0  }
0x5a: {  	[tilespmem:s21], [sflag:$0x5] =	stream.linear.gather [hbm4b:s12+s3], $0x50, $0x38;
	[tilespmem:$0x1540] =	vst v63  }
0x5b: {  	_ =	swait.ge [sflag:s16], $0x50  }
0x5c: {  	[sflag:s16] =	ssyncset.done $0x0  }
0x5d: {  	[sflag:s16] =	ssyncadd.s32 $0xFFFFFFB0  }
0x5e: {  	[tilespmem:s22], [sflag:$0x3] =	stream.indirect.gather [hbm4b:s2+s17], $0x10, s20, s17, $0xb8;
	[tilespmem:$0x1540] =	vst v63  }
0x5f: {  	_ = 	snop  }
0x60: {  	[tilespmem:s23], [sflag:$0x4] =	stream.indirect.gather [hbm4b:s2+s17], $0x10, s21, s17, $0xb8;
	[tilespmem:$0x1540] =	vst v63  }
0x61: {  	_ =	swait.ge [sflag:s24], $0x500  }
0x62: {  	[sflag:s24] =	ssyncset.done $0x0  }
0x63: {  	[sflag:s24] =	ssyncadd.s32 $0xFFFFFB00  }
0x64: {  	_ =	swait.ge [sflag:s25], $0x500  }
0x65: {  	s6 =	smov.u32 s30;
	[sflag:s25] =	ssyncset.done $0x0  }
0x66: {  	s7 =	sadd.s32 s6, s15;
	[sflag:s25] =	ssyncadd.s32 $0xFFFFFB00  }
0x67: {  	[hbm4b:s7+s3] =	stream.linear.scatter [tilespmem:s18], [sflag:$0x5], $0x500, $0x38;
	[tilespmem:$0x1540] =	vst v63  }
0x68: {  	_ =	swait.ge [sflag:s16], $0x500  }
0x69: {  	[sflag:s16] =	ssyncset.done $0x0  }
0x6a: {  	s8 =	sadd.s32 s6, s14;
	[sflag:s16] =	ssyncadd.s32 $0xFFFFFB00  }
0x6b: {  	[hbm4b:s8+s3] =	stream.linear.scatter [tilespmem:s19], [sflag:$0x5], $0x500, $0x38;
	[tilespmem:$0x1540] =	vst v63  }
0x6c: {  	s11 =	sadd.s32 $0xA0, s11;
	_ =	swait.ge [sflag:s16], $0x500  }
0x6d: {  	s7 =	sshrl.u32 s11, $0x3;
	[sflag:s16] =	ssyncset.done $0x0  }
0x6e: {  	s8 =	sadd.s32 s4, s7;
	[sflag:s16] =	ssyncadd.s32 $0xFFFFFB00  }
0x6f: {  	[tilespmem:s3], [sflag:$0x5] =	stream.linear.gather [hbm4b:s8+s3], $0x50, $0x38;
	[tilespmem:$0x1540] =	vst v63  }
0x70: {  	_ =	swait.ge [sflag:s16], $0x50  }
0x71: {  	[sflag:s16] =	ssyncset.done $0x0  }
0x72: {  	s7 =	sadd.s32 s5, s7;
	[sflag:s16] =	ssyncadd.s32 $0xFFFFFFB0  }
0x73: {  	[tilespmem:s17], [sflag:$0x5] =	stream.linear.gather [hbm4b:s7+s3], $0x50, $0x38;
	[tilespmem:$0x1540] =	vst v63  }
0x74: {  	_ =	swait.ge [sflag:s16], $0x50  }
0x75: {  	[sflag:s16] =	ssyncset.done $0x0  }
0x76: {  	[sflag:s16] =	ssyncadd.s32 $0xFFFFFFB0  }
0x77: {  	[tilespmem:s18], [sflag:$0x1] =	stream.indirect.gather [hbm4b:s2+s17], $0x10, s3, s17, $0xb8;
	[tilespmem:$0x1540] =	vst v63  }
0x78: {  	_ = 	snop  }
0x79: {  	[tilespmem:s19], [sflag:$0x2] =	stream.indirect.gather [hbm4b:s2+s17], $0x10, s17, s17, $0xb8;
	[tilespmem:$0x1540] =	vst v63  }
0x7a: {  	_ =	swait.ge [sflag:s26], $0x500  }
0x7b: {  	[sflag:s26] =	ssyncset.done $0x0  }
0x7c: {  	[sflag:s26] =	ssyncadd.s32 $0xFFFFFB00  }
0x7d: {  	_ =	swait.ge [sflag:s28], $0x500  }
0x7e: {  	s8 =	rddreg [dreg:$0x3];
	[sflag:s28] =	ssyncset.done $0x0  }
0x7f: {  	[sflag:s28] =	ssyncadd.s32 $0xFFFFFB00;
	s7 =	sadd.s32 s6, s8  }
0x80: {  	[hbm4b:s7+s3] =	stream.linear.scatter [tilespmem:s22], [sflag:$0x5], $0x500, $0x38;
	[tilespmem:$0x1540] =	vst v63  }
0x81: {  	p0 =	sne.s32 s30, $0x4C40;
	_ =	swait.ge [sflag:s16], $0x500  }
.Ltmp0:
0x82: {  	s8 =	rddreg [dreg:$0x4];
	[sflag:s16] =	ssyncset.done $0x0;
	(pc) =	sbr.rel @p0 .LBB2_2-.Ltmp0, $4  }
0x83: {  	[sflag:s16] =	ssyncadd.s32 $0xFFFFFB00;
	s6 =	sadd.s32 s6, s8  }
0x84: {  	[hbm4b:s6+s3] =	stream.linear.scatter [tilespmem:s23], [sflag:$0x5], $0x500, $0x38;
	[tilespmem:$0x1540] =	vst v63  }
0x85: {  	_ =	swait.ge [sflag:s16], $0x500  }
0x86: {  	s30 =	sadd.s32 $0x140, s30;
	s31 =	sadd.s32 $0x14, s31;
	[sflag:s16] =	ssyncset.done $0x0  }
0x87: {  	[sflag:s16] =	ssyncadd.s32 $0xFFFFFB00  }
0x88: {  	_ =	swait.ge [sflag:s24], $0x500  }
0x89: {  	[sflag:s24] =	ssyncset.done $0x0  }
0x8a: {  	[sflag:s24] =	ssyncadd.s32 $0xFFFFFB00  }
0x8b: {  	_ =	swait.ge [sflag:s25], $0x500  }
0x8c: {  	[sflag:s25] =	ssyncset.done $0x0  }
0x8d: {  	s6 =	rddreg [dreg:$0x7];
	[sflag:s25] =	ssyncadd.s32 $0xFFFFFB00  }
0x8e: {  	[hbm4b:s6+s3] =	stream.linear.scatter [tilespmem:s18], [sflag:$0x5], $0x500, $0x38;
	[tilespmem:$0x1540] =	vst v63  }
0x8f: {  	s29 =	sadd.s32 $0x1, s29;
	_ =	swait.ge [sflag:s16], $0x500  }
0x90: {  	p0 =	sne.s32 s29, s10;
	[sflag:s16] =	ssyncset.done $0x0  }
.Ltmp1:
0x91: {  	[sflag:s16] =	ssyncadd.s32 $0xFFFFFB00;
	(pc) =	sbr.rel @p0 .LBB2_1-.Ltmp1, $4  }
0x92: {  	[hbm4b:s9+s3] =	stream.linear.scatter [tilespmem:s19], [sflag:$0x5], $0x500, $0x38;
	[tilespmem:$0x1540] =	vst v63  }
0x93: {  	_ =	swait.ge [sflag:s16], $0x500  }
0x94: {  	[sflag:s16] =	ssyncset.done $0x0  }
0x95: {  	[sflag:s16] =	ssyncadd.s32 $0xFFFFFB00  }
0x96: {  	_ =	sfence.sel $0x180000  }
0x97: {  	[bflag:$0x0] =	sbarrier.arrive $0xFFFF  }
0x98: {  	_ =	strace $0x90000047  }
0x99: {  	s0 =	stileid.u32;
	[bflag:$0x2] =	sbarrier.arrive $0xFFFF  }
0x9a: {  	p0 =	sne.s32 s0, $0x0;
	s0 =	rddreg [dreg:$0x2]  }
0x9b: {  	s0 =	sadd.s32 @!p0 $0x100000, s0  }
0x9c: {  	[sflag:s0] =	ssyncadd.tile.s32 @!p0 $0x1;
	_ =	shalt  }
.Lfunc_end2:
_tile_overlayer_lowered:
.L_overlay_start_2:
0x9d: {  	(tag) =	ssettag $0x2  }
0x9e: {  	s0 =	rddreg [dreg:$0x0];
	s2 =	stileid.u32  }
0x9f: {  	s1 =	rddreg [dreg:$0x1];
	p0 =	sne.s32 s2, $0x0  }
0xa0: {  	s3 =	rddreg [dreg:$0x2];
	[bflag:$0x3] =	sbarrier.arrive $0xFFFF;
	s2 =	simm.s32 @!p0 $0x1C05  }
0xa1: {  	[timem:s3], [sflag:s2] =	dma.local @!p0 [hbm:s0], s1  }
0xa2: {  	s0 =	simm.s32 @!p0 $0x5  }
0xa3: {  	_ =	swait.ge @!p0 [sflag:s0], s1  }
0xa4: {  	s1 =	ssub.s32 @!p0 $0x0, s1;
	[sflag:s0] =	ssyncset.done @!p0 $0x0  }
0xa5: {  	[sflag:s0] =	ssyncadd.s32 @!p0 s1  }
0xa6: {  	[bflag:$0x3] =	sbarrier.arrive $0xFFFF  }
0xa7: {  	_ =	shalt  }

</sc_bundles>
